<compile_context>
chip_gen: v7x
topology: tpu7x:2x2x1
jax: 0.10.2.dev20260603
libtpu: 0.0.44.dev20260713+nightly
codegen_flags: <defaults>
</compile_context>

<pallas_src>
import functools

import jax
import jax.numpy as jnp
from jax import lax
from jax.experimental import pallas as pl
from jax.experimental.pallas import tpu as pltpu
from jax.experimental.pallas import tpu_sc as plsc

INNER = 32
D_MODEL = 128


def _tc_pack_transpose(table_t, vocab, q):
    BC = 16384
    grid = q // BC
    last_blk = pl.cdiv(vocab, BC) - 1

    def body(x0, x1, x2, x3, o_ref):
        o_ref[...] = jnp.concatenate(
            (x0[...], x1[...], x2[...], x3[...]), axis=0).T

    def imap(k):
        return lambda i: (0, jnp.minimum(i + k * grid, last_blk))

    return pl.pallas_call(
        body,
        grid=(grid,),
        in_specs=[pl.BlockSpec((INNER, BC), imap(k)) for k in range(4)],
        out_specs=pl.BlockSpec((BC, 128), lambda i: (i, 0)),
        out_shape=jax.ShapeDtypeStruct((q, 128), jnp.float32),
    )(table_t, table_t, table_t, table_t)


def _sc_gather(table_lin, flat_ids, n_half, half):
    info = plsc.get_sparse_core_info()
    nw = info.num_cores * info.num_subcores
    nc = info.num_cores
    rows_per_w = n_half // nw
    chunk = 1600
    n_chunks = rows_per_w // chunk

    mesh = plsc.VectorSubcoreMesh(core_axis_name="c", subcore_axis_name="s")

    @functools.partial(
        pl.kernel,
        out_type=jax.ShapeDtypeStruct((n_half, INNER), jnp.float32),
        mesh=mesh,
        compiler_params=pltpu.CompilerParams(use_tc_tiling_on_sc=False),
        scratch_types=[
            pltpu.VMEM((rows_per_w,), jnp.int32),
            pltpu.VMEM((chunk, INNER), jnp.float32),
            pltpu.VMEM((chunk, INNER), jnp.float32),
            pltpu.SemaphoreType.DMA,
            pltpu.SemaphoreType.DMA,
        ],
    )
    def gather_kernel(table_hbm, idx_hbm, out_hbm, idx_v, rows0, rows1, sem0, sem1):
        wid = lax.axis_index("s") * nc + lax.axis_index("c")
        base = wid * rows_per_w
        pltpu.sync_copy(
            idx_hbm.at[pl.ds(half * n_half + base, rows_per_w)], idx_v)
        rows = (rows0, rows1)
        sems = (sem0, sem1)
        cps = [None, None]
        cps[0] = pltpu.async_copy(
            table_hbm.at[idx_v.at[pl.ds(0, chunk)]], rows[0], sems[0])
        for c in range(n_chunks):
            if c + 1 < n_chunks:
                cps[(c + 1) % 2] = pltpu.async_copy(
                    table_hbm.at[idx_v.at[pl.ds((c + 1) * chunk, chunk)]],
                    rows[(c + 1) % 2], sems[(c + 1) % 2])
            cps[c % 2].wait()
            pltpu.sync_copy(rows[c % 2],
                            out_hbm.at[pl.ds(base + c * chunk, chunk)])

    return gather_kernel(table_lin, flat_ids)


def _tc_project(gathered_grouped, w_t, n_tok, n_half, half, prev=None):
    TM = 12800
    TG = TM // 4
    grid = n_half // TM
    blk0 = half * grid

    def mm(x_ref, w_ref, o_ref, *maybe_prev):
        x = x_ref[...]
        for k in range(4):
            yk = jnp.dot(x[:, 32 * k:32 * k + 32], w_ref[...],
                         preferred_element_type=jnp.float32)
            o_ref[pl.Slice(k, TG, 4), :] = yk

    in_specs = [
        pl.BlockSpec((TG, 128), lambda i: (i, 0)),
        pl.BlockSpec((INNER, D_MODEL), lambda i: (0, 0)),
    ]
    args = [gathered_grouped, w_t]
    kwargs = {}
    if prev is not None:
        def mm_alias(x_ref, w_ref, prev_ref, o_ref):
            mm(x_ref, w_ref, o_ref)
        body = mm_alias
        in_specs.append(pl.BlockSpec(memory_space=pl.ANY))
        args.append(prev)
        kwargs["input_output_aliases"] = {2: 0}
    else:
        body = mm

    return pl.pallas_call(
        body,
        grid=(grid,),
        in_specs=in_specs,
        out_specs=pl.BlockSpec((TM, D_MODEL), lambda i: (i + blk0, 0)),
        out_shape=jax.ShapeDtypeStruct((n_tok, D_MODEL), jnp.float32),
        **kwargs,
    )(*args)


def kernel(token_ids, emb_table, W):
    b, l = token_ids.shape
    n_tok = b * l
    vocab = emb_table.shape[0]
    flat_ids = token_ids.T.reshape(n_tok)
    q = 16 * 16384
    lin_ids = 4 * (flat_ids % q) + flat_ids // q
    table_packed = _tc_pack_transpose(emb_table.T, vocab, q)
    table_lin = table_packed.reshape(4 * q, INNER)
    n_half = n_tok // 2
    g0 = _sc_gather(table_lin, lin_ids, n_half, 0)
    g1 = _sc_gather(table_lin, lin_ids, n_half, 1)
    w_t = W.T
    y0 = _tc_project(g0.reshape(n_half // 4, 128), w_t, n_tok, n_half, 0)
    y = _tc_project(g1.reshape(n_half // 4, 128), w_t, n_tok, n_half, 1, prev=y0)
    return y.reshape(l, b, D_MODEL).transpose(1, 0, 2)

# --- scband reference (transcript-rebuilt; emitter-appended) ---
"""Pipeline reference for scband-factored-embedding-3530463117855 (READ-ONLY COPY).

The authoritative reference and input builder live on the scoring server;
editing this copy changes nothing except your own understanding.
"""

import jax, jax.numpy as jnp
import numpy as np

VOCAB = 1000000
INNER = 32
D_MODEL = 128
PAD = 0

def setup_inputs(seed: int = 0) -> dict:
    key = jax.random.key(seed)
    k1, k2, k3 = jax.random.split(key, 3)
    token_ids = jax.random.randint(k1, (4096, 50), 0, VOCAB)
    emb_table = jax.random.normal(k2, (VOCAB, INNER), dtype=jnp.float32)
    emb_table = emb_table.at[PAD].set(0.0)  # padding_idx row is zero
    W = jax.random.normal(k3, (D_MODEL, INNER), dtype=jnp.float32) * 0.05  # nn.Linear weight (out, in)
    return {"token_ids": token_ids, "emb_table": emb_table, "W": W}

def reference(token_ids, emb_table, W):
    # nn.Embedding with padding_idx: lookup, padded positions map to zero row
    e = jnp.take(emb_table, token_ids, axis=0)  # (B, L, inner)
    mask = (token_ids != PAD)[..., None]
    e = jnp.where(mask, e, 0.0)
    # nn.Linear(inner, d_model, bias=False): y = e @ W.T
    return e @ W.T  # (B, L, d_model)

if __name__ == "__main__":
    import jax
    _d = setup_inputs()
    print(jax.jit(kernel)(*tuple(_d.values())))

</pallas_src>

<mosaic_0001>
#map = affine_map<(d0, d1) -> (0, 0)>
#map1 = affine_map<(d0, d1) -> (0)>
module attributes {stable_mosaic.version = 14 : i64} {
  func.func @gather_kernel(%arg0: i32, %arg1: i32, %arg2: memref<1048576x32xf32, #tpu.memory_space<hbm>>, %arg3: memref<204800xi32, #tpu.memory_space<hbm>>, %arg4: memref<102400x32xf32, #tpu.memory_space<hbm>>, %arg5: memref<3200xi32, #tpu.memory_space<vmem>>, %arg6: memref<1600x32xf32, #tpu.memory_space<vmem>>, %arg7: memref<1600x32xf32, #tpu.memory_space<vmem>>, %arg8: memref<!tpu.dma_semaphore, #tpu.memory_space<semaphore_mem>>, %arg9: memref<!tpu.dma_semaphore, #tpu.memory_space<semaphore_mem>>) attributes {dimension_semantics = [#tpu.dimension_semantics<core_parallel>, #tpu.dimension_semantics<subcore_parallel>], iteration_bounds = array<i64: 2, 16>, scalar_prefetch = 0 : i64, scratch_operands = 5 : i64, tpu.core_type = #tpu.core_type<sc_vector_subcore>, window_params = [{transform_indices = #map}, {transform_indices = #map1}, {transform_indices = #map}]} {
    %mul3A = arith.constant 2 : i32
    %mul3A_0 = arith.muli %arg1, %mul3A : i32
    %add3A = arith.addi %mul3A_0, %arg0 : i32
    %mul3A_1 = arith.constant 3200 : i32
    %mul3A_2 = arith.muli %add3A, %mul3A_1 : i32
    %add3A_3 = arith.constant 102400 : i32
    %add3A_4 = arith.addi %add3A_3, %mul3A_2 : i32
    "tpu.region"() ({
      %run_scoped3A = tpu.sem_alloc : memref<!tpu.dma_semaphore, #tpu.memory_space<semaphore_mem>>
      %dma_start3A_27 = tpu.memref_slice %arg3[%add3A_4] : memref<204800xi32, #tpu.memory_space<hbm>> -> memref<3200xi32, #tpu.memory_space<hbm>>
      %dma_start3A_28 = tpu.memref_slice %arg3[%add3A_4] : memref<204800xi32, #tpu.memory_space<hbm>> -> memref<3200xi32, #tpu.memory_space<hbm>>
      tpu.enqueue_dma source(%dma_start3A_28 : memref<3200xi32, #tpu.memory_space<hbm>>) target(%arg5 : memref<3200xi32, #tpu.memory_space<vmem>>) target_semaphore(%run_scoped3A : memref<!tpu.dma_semaphore, #tpu.memory_space<semaphore_mem>>)
      %dma_wait3A_29 = tpu.memref_slice %arg3[%add3A_4] : memref<204800xi32, #tpu.memory_space<hbm>> -> memref<3200xi32, #tpu.memory_space<hbm>>
      %dma_wait3A_30 = tpu.memref_slice %arg3[%add3A_4] : memref<204800xi32, #tpu.memory_space<hbm>> -> memref<3200xi32, #tpu.memory_space<hbm>>
      tpu.wait_dma2 semaphore(%run_scoped3A : memref<!tpu.dma_semaphore, #tpu.memory_space<semaphore_mem>>) src(%dma_wait3A_30 : memref<3200xi32, #tpu.memory_space<hbm>>) dst(%arg5 : memref<3200xi32, #tpu.memory_space<vmem>>)
      tpu.yield
    }) : () -> ()
    %dma_start3A = arith.constant 0 : i32
    %dma_start3A_5 = tpu.memref_slice %arg5[%dma_start3A] : memref<3200xi32, #tpu.memory_space<vmem>> -> memref<1600xi32, #tpu.memory_space<vmem>>
    %dma_start3A_6 = arith.constant 0 : i32
    %dma_start3A_7 = arith.constant 0 : i32
    %dma_start3A_8 = tpu.memref_slice %arg2[%dma_start3A_6, %dma_start3A_7] : memref<1048576x32xf32, #tpu.memory_space<hbm>> -> memref<1048576x32xf32, #tpu.memory_space<hbm>>
    tpu.enqueue_indirect_dma source(%dma_start3A_8 : memref<1048576x32xf32, #tpu.memory_space<hbm>>) target(%arg6 : memref<1600x32xf32, #tpu.memory_space<vmem>>) offsets(%dma_start3A_5 : memref<1600xi32, #tpu.memory_space<vmem>>) semaphore(%arg8 : memref<!tpu.dma_semaphore, #tpu.memory_space<semaphore_mem>>)
    %dma_start3A_9 = arith.constant 1600 : i32
    %dma_start3A_10 = tpu.memref_slice %arg5[%dma_start3A_9] : memref<3200xi32, #tpu.memory_space<vmem>> -> memref<1600xi32, #tpu.memory_space<vmem>>
    %dma_start3A_11 = arith.constant 0 : i32
    %dma_start3A_12 = arith.constant 0 : i32
    %dma_start3A_13 = tpu.memref_slice %arg2[%dma_start3A_11, %dma_start3A_12] : memref<1048576x32xf32, #tpu.memory_space<hbm>> -> memref<1048576x32xf32, #tpu.memory_space<hbm>>
    tpu.enqueue_indirect_dma source(%dma_start3A_13 : memref<1048576x32xf32, #tpu.memory_space<hbm>>) target(%arg7 : memref<1600x32xf32, #tpu.memory_space<vmem>>) offsets(%dma_start3A_10 : memref<1600xi32, #tpu.memory_space<vmem>>) semaphore(%arg9 : memref<!tpu.dma_semaphore, #tpu.memory_space<semaphore_mem>>)
    %dma_wait3A = arith.constant 0 : i32
    %dma_wait3A_14 = tpu.memref_slice %arg5[%dma_wait3A] : memref<3200xi32, #tpu.memory_space<vmem>> -> memref<1600xi32, #tpu.memory_space<vmem>>
    %dma_wait3A_15 = arith.constant 0 : i32
    %dma_wait3A_16 = arith.constant 0 : i32
    %dma_wait3A_17 = tpu.memref_slice %arg2[%dma_wait3A_15, %dma_wait3A_16] : memref<1048576x32xf32, #tpu.memory_space<hbm>> -> memref<1048576x32xf32, #tpu.memory_space<hbm>>
    tpu.wait_indirect_dma semaphore(%arg8 : memref<!tpu.dma_semaphore, #tpu.memory_space<semaphore_mem>>) src(%dma_wait3A_17 : memref<1048576x32xf32, #tpu.memory_space<hbm>>) dst(%arg6 : memref<1600x32xf32, #tpu.memory_space<vmem>>)
    %add3A_18 = arith.constant 0 : i32
    %add3A_19 = arith.addi %mul3A_2, %add3A_18 : i32
    "tpu.region"() ({
      %run_scoped3A = tpu.sem_alloc : memref<!tpu.dma_semaphore, #tpu.memory_space<semaphore_mem>>
      %dma_start3A_27 = arith.constant 0 : i32
      %dma_start3A_28 = tpu.memref_slice %arg4[%add3A_19, %dma_start3A_27] : memref<102400x32xf32, #tpu.memory_space<hbm>> -> memref<1600x32xf32, #tpu.memory_space<hbm>>
      %dma_start3A_29 = arith.constant 0 : i32
      %dma_start3A_30 = tpu.memref_slice %arg4[%add3A_19, %dma_start3A_29] : memref<102400x32xf32, #tpu.memory_space<hbm>> -> memref<1600x32xf32, #tpu.memory_space<hbm>>
      tpu.enqueue_dma source(%arg6 : memref<1600x32xf32, #tpu.memory_space<vmem>>) target(%dma_start3A_30 : memref<1600x32xf32, #tpu.memory_space<hbm>>) target_semaphore(%run_scoped3A : memref<!tpu.dma_semaphore, #tpu.memory_space<semaphore_mem>>)
      %dma_wait3A_31 = arith.constant 0 : i32
      %dma_wait3A_32 = tpu.memref_slice %arg4[%add3A_19, %dma_wait3A_31] : memref<102400x32xf32, #tpu.memory_space<hbm>> -> memref<1600x32xf32, #tpu.memory_space<hbm>>
      %dma_wait3A_33 = arith.constant 0 : i32
      %dma_wait3A_34 = tpu.memref_slice %arg4[%add3A_19, %dma_wait3A_33] : memref<102400x32xf32, #tpu.memory_space<hbm>> -> memref<1600x32xf32, #tpu.memory_space<hbm>>
      tpu.wait_dma2 semaphore(%run_scoped3A : memref<!tpu.dma_semaphore, #tpu.memory_space<semaphore_mem>>) src(%arg6 : memref<1600x32xf32, #tpu.memory_space<vmem>>) dst(%dma_wait3A_34 : memref<1600x32xf32, #tpu.memory_space<hbm>>)
      tpu.yield
    }) : () -> ()
    %dma_wait3A_20 = arith.constant 1600 : i32
    %dma_wait3A_21 = tpu.memref_slice %arg5[%dma_wait3A_20] : memref<3200xi32, #tpu.memory_space<vmem>> -> memref<1600xi32, #tpu.memory_space<vmem>>
    %dma_wait3A_22 = arith.constant 0 : i32
    %dma_wait3A_23 = arith.constant 0 : i32
    %dma_wait3A_24 = tpu.memref_slice %arg2[%dma_wait3A_22, %dma_wait3A_23] : memref<1048576x32xf32, #tpu.memory_space<hbm>> -> memref<1048576x32xf32, #tpu.memory_space<hbm>>
    tpu.wait_indirect_dma semaphore(%arg9 : memref<!tpu.dma_semaphore, #tpu.memory_space<semaphore_mem>>) src(%dma_wait3A_24 : memref<1048576x32xf32, #tpu.memory_space<hbm>>) dst(%arg7 : memref<1600x32xf32, #tpu.memory_space<vmem>>)
    %add3A_25 = arith.constant 1600 : i32
    %add3A_26 = arith.addi %mul3A_2, %add3A_25 : i32
    "tpu.region"() ({
      %run_scoped3A = tpu.sem_alloc : memref<!tpu.dma_semaphore, #tpu.memory_space<semaphore_mem>>
      %dma_start3A_27 = arith.constant 0 : i32
      %dma_start3A_28 = tpu.memref_slice %arg4[%add3A_26, %dma_start3A_27] : memref<102400x32xf32, #tpu.memory_space<hbm>> -> memref<1600x32xf32, #tpu.memory_space<hbm>>
      %dma_start3A_29 = arith.constant 0 : i32
      %dma_start3A_30 = tpu.memref_slice %arg4[%add3A_26, %dma_start3A_29] : memref<102400x32xf32, #tpu.memory_space<hbm>> -> memref<1600x32xf32, #tpu.memory_space<hbm>>
      tpu.enqueue_dma source(%arg7 : memref<1600x32xf32, #tpu.memory_space<vmem>>) target(%dma_start3A_30 : memref<1600x32xf32, #tpu.memory_space<hbm>>) target_semaphore(%run_scoped3A : memref<!tpu.dma_semaphore, #tpu.memory_space<semaphore_mem>>)
      %dma_wait3A_31 = arith.constant 0 : i32
      %dma_wait3A_32 = tpu.memref_slice %arg4[%add3A_26, %dma_wait3A_31] : memref<102400x32xf32, #tpu.memory_space<hbm>> -> memref<1600x32xf32, #tpu.memory_space<hbm>>
      %dma_wait3A_33 = arith.constant 0 : i32
      %dma_wait3A_34 = tpu.memref_slice %arg4[%add3A_26, %dma_wait3A_33] : memref<102400x32xf32, #tpu.memory_space<hbm>> -> memref<1600x32xf32, #tpu.memory_space<hbm>>
      tpu.wait_dma2 semaphore(%run_scoped3A : memref<!tpu.dma_semaphore, #tpu.memory_space<semaphore_mem>>) src(%arg7 : memref<1600x32xf32, #tpu.memory_space<vmem>>) dst(%dma_wait3A_34 : memref<1600x32xf32, #tpu.memory_space<hbm>>)
      tpu.yield
    }) : () -> ()
    return
  }
}

#map = affine_map<(d0, d1) -> (0, 0)>
#map1 = affine_map<(d0, d1) -> (0)>
module attributes {stable_mosaic.version = 14 : i64} {
  func.func @gather_kernel(%arg0: i32, %arg1: i32, %arg2: memref<1048576x32xf32, #tpu.memory_space<hbm>>, %arg3: memref<204800xi32, #tpu.memory_space<hbm>>, %arg4: memref<102400x32xf32, #tpu.memory_space<hbm>>, %arg5: memref<3200xi32, #tpu.memory_space<vmem>>, %arg6: memref<1600x32xf32, #tpu.memory_space<vmem>>, %arg7: memref<1600x32xf32, #tpu.memory_space<vmem>>, %arg8: memref<!tpu.dma_semaphore, #tpu.memory_space<semaphore_mem>>, %arg9: memref<!tpu.dma_semaphore, #tpu.memory_space<semaphore_mem>>) attributes {dimension_semantics = [#tpu.dimension_semantics<core_parallel>, #tpu.dimension_semantics<subcore_parallel>], iteration_bounds = array<i64: 2, 16>, scalar_prefetch = 0 : i64, scratch_operands = 5 : i64, tpu.core_type = #tpu.core_type<sc_vector_subcore>, window_params = [{transform_indices = #map}, {transform_indices = #map1}, {transform_indices = #map}]} {
    %mul3A = arith.constant 2 : i32
    %mul3A_0 = arith.muli %arg1, %mul3A : i32
    %add3A = arith.addi %mul3A_0, %arg0 : i32
    %mul3A_1 = arith.constant 3200 : i32
    %mul3A_2 = arith.muli %add3A, %mul3A_1 : i32
    %add3A_3 = arith.constant 0 : i32
    %add3A_4 = arith.addi %add3A_3, %mul3A_2 : i32
    "tpu.region"() ({
      %run_scoped3A = tpu.sem_alloc : memref<!tpu.dma_semaphore, #tpu.memory_space<semaphore_mem>>
      %dma_start3A_27 = tpu.memref_slice %arg3[%add3A_4] : memref<204800xi32, #tpu.memory_space<hbm>> -> memref<3200xi32, #tpu.memory_space<hbm>>
      %dma_start3A_28 = tpu.memref_slice %arg3[%add3A_4] : memref<204800xi32, #tpu.memory_space<hbm>> -> memref<3200xi32, #tpu.memory_space<hbm>>
      tpu.enqueue_dma source(%dma_start3A_28 : memref<3200xi32, #tpu.memory_space<hbm>>) target(%arg5 : memref<3200xi32, #tpu.memory_space<vmem>>) target_semaphore(%run_scoped3A : memref<!tpu.dma_semaphore, #tpu.memory_space<semaphore_mem>>)
      %dma_wait3A_29 = tpu.memref_slice %arg3[%add3A_4] : memref<204800xi32, #tpu.memory_space<hbm>> -> memref<3200xi32, #tpu.memory_space<hbm>>
      %dma_wait3A_30 = tpu.memref_slice %arg3[%add3A_4] : memref<204800xi32, #tpu.memory_space<hbm>> -> memref<3200xi32, #tpu.memory_space<hbm>>
      tpu.wait_dma2 semaphore(%run_scoped3A : memref<!tpu.dma_semaphore, #tpu.memory_space<semaphore_mem>>) src(%dma_wait3A_30 : memref<3200xi32, #tpu.memory_space<hbm>>) dst(%arg5 : memref<3200xi32, #tpu.memory_space<vmem>>)
      tpu.yield
    }) : () -> ()
    %dma_start3A = arith.constant 0 : i32
    %dma_start3A_5 = tpu.memref_slice %arg5[%dma_start3A] : memref<3200xi32, #tpu.memory_space<vmem>> -> memref<1600xi32, #tpu.memory_space<vmem>>
    %dma_start3A_6 = arith.constant 0 : i32
    %dma_start3A_7 = arith.constant 0 : i32
    %dma_start3A_8 = tpu.memref_slice %arg2[%dma_start3A_6, %dma_start3A_7] : memref<1048576x32xf32, #tpu.memory_space<hbm>> -> memref<1048576x32xf32, #tpu.memory_space<hbm>>
    tpu.enqueue_indirect_dma source(%dma_start3A_8 : memref<1048576x32xf32, #tpu.memory_space<hbm>>) target(%arg6 : memref<1600x32xf32, #tpu.memory_space<vmem>>) offsets(%dma_start3A_5 : memref<1600xi32, #tpu.memory_space<vmem>>) semaphore(%arg8 : memref<!tpu.dma_semaphore, #tpu.memory_space<semaphore_mem>>)
    %dma_start3A_9 = arith.constant 1600 : i32
    %dma_start3A_10 = tpu.memref_slice %arg5[%dma_start3A_9] : memref<3200xi32, #tpu.memory_space<vmem>> -> memref<1600xi32, #tpu.memory_space<vmem>>
    %dma_start3A_11 = arith.constant 0 : i32
    %dma_start3A_12 = arith.constant 0 : i32
    %dma_start3A_13 = tpu.memref_slice %arg2[%dma_start3A_11, %dma_start3A_12] : memref<1048576x32xf32, #tpu.memory_space<hbm>> -> memref<1048576x32xf32, #tpu.memory_space<hbm>>
    tpu.enqueue_indirect_dma source(%dma_start3A_13 : memref<1048576x32xf32, #tpu.memory_space<hbm>>) target(%arg7 : memref<1600x32xf32, #tpu.memory_space<vmem>>) offsets(%dma_start3A_10 : memref<1600xi32, #tpu.memory_space<vmem>>) semaphore(%arg9 : memref<!tpu.dma_semaphore, #tpu.memory_space<semaphore_mem>>)
    %dma_wait3A = arith.constant 0 : i32
    %dma_wait3A_14 = tpu.memref_slice %arg5[%dma_wait3A] : memref<3200xi32, #tpu.memory_space<vmem>> -> memref<1600xi32, #tpu.memory_space<vmem>>
    %dma_wait3A_15 = arith.constant 0 : i32
    %dma_wait3A_16 = arith.constant 0 : i32
    %dma_wait3A_17 = tpu.memref_slice %arg2[%dma_wait3A_15, %dma_wait3A_16] : memref<1048576x32xf32, #tpu.memory_space<hbm>> -> memref<1048576x32xf32, #tpu.memory_space<hbm>>
    tpu.wait_indirect_dma semaphore(%arg8 : memref<!tpu.dma_semaphore, #tpu.memory_space<semaphore_mem>>) src(%dma_wait3A_17 : memref<1048576x32xf32, #tpu.memory_space<hbm>>) dst(%arg6 : memref<1600x32xf32, #tpu.memory_space<vmem>>)
    %add3A_18 = arith.constant 0 : i32
    %add3A_19 = arith.addi %mul3A_2, %add3A_18 : i32
    "tpu.region"() ({
      %run_scoped3A = tpu.sem_alloc : memref<!tpu.dma_semaphore, #tpu.memory_space<semaphore_mem>>
      %dma_start3A_27 = arith.constant 0 : i32
      %dma_start3A_28 = tpu.memref_slice %arg4[%add3A_19, %dma_start3A_27] : memref<102400x32xf32, #tpu.memory_space<hbm>> -> memref<1600x32xf32, #tpu.memory_space<hbm>>
      %dma_start3A_29 = arith.constant 0 : i32
      %dma_start3A_30 = tpu.memref_slice %arg4[%add3A_19, %dma_start3A_29] : memref<102400x32xf32, #tpu.memory_space<hbm>> -> memref<1600x32xf32, #tpu.memory_space<hbm>>
      tpu.enqueue_dma source(%arg6 : memref<1600x32xf32, #tpu.memory_space<vmem>>) target(%dma_start3A_30 : memref<1600x32xf32, #tpu.memory_space<hbm>>) target_semaphore(%run_scoped3A : memref<!tpu.dma_semaphore, #tpu.memory_space<semaphore_mem>>)
      %dma_wait3A_31 = arith.constant 0 : i32
      %dma_wait3A_32 = tpu.memref_slice %arg4[%add3A_19, %dma_wait3A_31] : memref<102400x32xf32, #tpu.memory_space<hbm>> -> memref<1600x32xf32, #tpu.memory_space<hbm>>
      %dma_wait3A_33 = arith.constant 0 : i32
      %dma_wait3A_34 = tpu.memref_slice %arg4[%add3A_19, %dma_wait3A_33] : memref<102400x32xf32, #tpu.memory_space<hbm>> -> memref<1600x32xf32, #tpu.memory_space<hbm>>
      tpu.wait_dma2 semaphore(%run_scoped3A : memref<!tpu.dma_semaphore, #tpu.memory_space<semaphore_mem>>) src(%arg6 : memref<1600x32xf32, #tpu.memory_space<vmem>>) dst(%dma_wait3A_34 : memref<1600x32xf32, #tpu.memory_space<hbm>>)
      tpu.yield
    }) : () -> ()
    %dma_wait3A_20 = arith.constant 1600 : i32
    %dma_wait3A_21 = tpu.memref_slice %arg5[%dma_wait3A_20] : memref<3200xi32, #tpu.memory_space<vmem>> -> memref<1600xi32, #tpu.memory_space<vmem>>
    %dma_wait3A_22 = arith.constant 0 : i32
    %dma_wait3A_23 = arith.constant 0 : i32
    %dma_wait3A_24 = tpu.memref_slice %arg2[%dma_wait3A_22, %dma_wait3A_23] : memref<1048576x32xf32, #tpu.memory_space<hbm>> -> memref<1048576x32xf32, #tpu.memory_space<hbm>>
    tpu.wait_indirect_dma semaphore(%arg9 : memref<!tpu.dma_semaphore, #tpu.memory_space<semaphore_mem>>) src(%dma_wait3A_24 : memref<1048576x32xf32, #tpu.memory_space<hbm>>) dst(%arg7 : memref<1600x32xf32, #tpu.memory_space<vmem>>)
    %add3A_25 = arith.constant 1600 : i32
    %add3A_26 = arith.addi %mul3A_2, %add3A_25 : i32
    "tpu.region"() ({
      %run_scoped3A = tpu.sem_alloc : memref<!tpu.dma_semaphore, #tpu.memory_space<semaphore_mem>>
      %dma_start3A_27 = arith.constant 0 : i32
      %dma_start3A_28 = tpu.memref_slice %arg4[%add3A_26, %dma_start3A_27] : memref<102400x32xf32, #tpu.memory_space<hbm>> -> memref<1600x32xf32, #tpu.memory_space<hbm>>
      %dma_start3A_29 = arith.constant 0 : i32
      %dma_start3A_30 = tpu.memref_slice %arg4[%add3A_26, %dma_start3A_29] : memref<102400x32xf32, #tpu.memory_space<hbm>> -> memref<1600x32xf32, #tpu.memory_space<hbm>>
      tpu.enqueue_dma source(%arg7 : memref<1600x32xf32, #tpu.memory_space<vmem>>) target(%dma_start3A_30 : memref<1600x32xf32, #tpu.memory_space<hbm>>) target_semaphore(%run_scoped3A : memref<!tpu.dma_semaphore, #tpu.memory_space<semaphore_mem>>)
      %dma_wait3A_31 = arith.constant 0 : i32
      %dma_wait3A_32 = tpu.memref_slice %arg4[%add3A_26, %dma_wait3A_31] : memref<102400x32xf32, #tpu.memory_space<hbm>> -> memref<1600x32xf32, #tpu.memory_space<hbm>>
      %dma_wait3A_33 = arith.constant 0 : i32
      %dma_wait3A_34 = tpu.memref_slice %arg4[%add3A_26, %dma_wait3A_33] : memref<102400x32xf32, #tpu.memory_space<hbm>> -> memref<1600x32xf32, #tpu.memory_space<hbm>>
      tpu.wait_dma2 semaphore(%run_scoped3A : memref<!tpu.dma_semaphore, #tpu.memory_space<semaphore_mem>>) src(%arg7 : memref<1600x32xf32, #tpu.memory_space<vmem>>) dst(%dma_wait3A_34 : memref<1600x32xf32, #tpu.memory_space<hbm>>)
      tpu.yield
    }) : () -> ()
    return
  }
}

module attributes {stable_mosaic.version = 14 : i64} {
  func.func @mm(%arg0: i32, %arg1: memref<3200x128xf32, #tpu.memory_space<vmem>>, %arg2: memref<32x128xf32, #tpu.memory_space<vmem>>, %arg3: memref<12800x128xf32, #tpu.memory_space<vmem>>) attributes {dimension_semantics = [#tpu.dimension_semantics<arbitrary>], iteration_bounds = array<i64: 8>, scalar_prefetch = 0 : i64, scratch_operands = 0 : i64, tpu.core_type = #tpu.core_type<tc>, window_params = [{transform_indices = @transform_0, window_bounds = array<i64: 3200, 128>}, {pipeline_mode = #tpu.pipeline_mode<synchronous>, transform_indices = @transform_1, window_bounds = array<i64: 32, 128>}, {transform_indices = @transform_2, window_bounds = array<i64: 12800, 128>}]} {
    %get3A = arith.constant 0 : index
    %get3A_0 = arith.constant 0 : index
    %get3A_1 = vector.load %arg1[%get3A, %get3A_0] : memref<3200x128xf32, #tpu.memory_space<vmem>>, vector<3200x128xf32>
    %slice3A = vector.extract_strided_slice %get3A_1 {offsets = [0, 0], sizes = [3200, 32], strides = [1, 1]} : vector<3200x128xf32> to vector<3200x32xf32>
    %get3A_2 = arith.constant 0 : index
    %get3A_3 = arith.constant 0 : index
    %get3A_4 = vector.load %arg2[%get3A_2, %get3A_3] : memref<32x128xf32, #tpu.memory_space<vmem>>, vector<32x128xf32>
    %dot_general3A = arith.constant dense<0.000000e+00> : vector<3200x128xf32>
    %dot_general3A_5 = tpu.matmul %slice3A, %get3A_4, %dot_general3A {dimension_numbers = #tpu.dot_dimension_numbers<[1], [0], [0], [1], [0, 0, 1, 1], [], []>, transpose_lhs_hint = false} : vector<3200x32xf32>, vector<32x128xf32>, vector<3200x128xf32> -> vector<3200x128xf32>
    %swap3A = arith.constant 0 : index
    %swap3A_6 = arith.constant 0 : index
    %swap3A_7 = tpu.strided_load %arg3[%swap3A, %swap3A_6] {strides = array<i32: 4, 1>} : memref<12800x128xf32, #tpu.memory_space<vmem>>, vector<3200x128xf32>
    tpu.strided_store %arg3[%swap3A, %swap3A_6], %dot_general3A_5 {strides = array<i32: 4, 1>} : memref<12800x128xf32, #tpu.memory_space<vmem>>, vector<3200x128xf32>
    %slice3A_8 = vector.extract_strided_slice %get3A_1 {offsets = [0, 32], sizes = [3200, 32], strides = [1, 1]} : vector<3200x128xf32> to vector<3200x32xf32>
    %get3A_9 = arith.constant 0 : index
    %get3A_10 = arith.constant 0 : index
    %get3A_11 = vector.load %arg2[%get3A_9, %get3A_10] : memref<32x128xf32, #tpu.memory_space<vmem>>, vector<32x128xf32>
    %dot_general3A_12 = arith.constant dense<0.000000e+00> : vector<3200x128xf32>
    %dot_general3A_13 = tpu.matmul %slice3A_8, %get3A_11, %dot_general3A_12 {dimension_numbers = #tpu.dot_dimension_numbers<[1], [0], [0], [1], [0, 0, 1, 1], [], []>, transpose_lhs_hint = false} : vector<3200x32xf32>, vector<32x128xf32>, vector<3200x128xf32> -> vector<3200x128xf32>
    %swap3A_14 = arith.constant 1 : index
    %swap3A_15 = arith.constant 0 : index
    %swap3A_16 = tpu.strided_load %arg3[%swap3A_14, %swap3A_15] {strides = array<i32: 4, 1>} : memref<12800x128xf32, #tpu.memory_space<vmem>>, vector<3200x128xf32>
    tpu.strided_store %arg3[%swap3A_14, %swap3A_15], %dot_general3A_13 {strides = array<i32: 4, 1>} : memref<12800x128xf32, #tpu.memory_space<vmem>>, vector<3200x128xf32>
    %slice3A_17 = vector.extract_strided_slice %get3A_1 {offsets = [0, 64], sizes = [3200, 32], strides = [1, 1]} : vector<3200x128xf32> to vector<3200x32xf32>
    %get3A_18 = arith.constant 0 : index
    %get3A_19 = arith.constant 0 : index
    %get3A_20 = vector.load %arg2[%get3A_18, %get3A_19] : memref<32x128xf32, #tpu.memory_space<vmem>>, vector<32x128xf32>
    %dot_general3A_21 = arith.constant dense<0.000000e+00> : vector<3200x128xf32>
    %dot_general3A_22 = tpu.matmul %slice3A_17, %get3A_20, %dot_general3A_21 {dimension_numbers = #tpu.dot_dimension_numbers<[1], [0], [0], [1], [0, 0, 1, 1], [], []>, transpose_lhs_hint = false} : vector<3200x32xf32>, vector<32x128xf32>, vector<3200x128xf32> -> vector<3200x128xf32>
    %swap3A_23 = arith.constant 2 : index
    %swap3A_24 = arith.constant 0 : index
    %swap3A_25 = tpu.strided_load %arg3[%swap3A_23, %swap3A_24] {strides = array<i32: 4, 1>} : memref<12800x128xf32, #tpu.memory_space<vmem>>, vector<3200x128xf32>
    tpu.strided_store %arg3[%swap3A_23, %swap3A_24], %dot_general3A_22 {strides = array<i32: 4, 1>} : memref<12800x128xf32, #tpu.memory_space<vmem>>, vector<3200x128xf32>
    %slice3A_26 = vector.extract_strided_slice %get3A_1 {offsets = [0, 96], sizes = [3200, 32], strides = [1, 1]} : vector<3200x128xf32> to vector<3200x32xf32>
    %get3A_27 = arith.constant 0 : index
    %get3A_28 = arith.constant 0 : index
    %get3A_29 = vector.load %arg2[%get3A_27, %get3A_28] : memref<32x128xf32, #tpu.memory_space<vmem>>, vector<32x128xf32>
    %dot_general3A_30 = arith.constant dense<0.000000e+00> : vector<3200x128xf32>
    %dot_general3A_31 = tpu.matmul %slice3A_26, %get3A_29, %dot_general3A_30 {dimension_numbers = #tpu.dot_dimension_numbers<[1], [0], [0], [1], [0, 0, 1, 1], [], []>, transpose_lhs_hint = false} : vector<3200x32xf32>, vector<32x128xf32>, vector<3200x128xf32> -> vector<3200x128xf32>
    %swap3A_32 = arith.constant 3 : index
    %swap3A_33 = arith.constant 0 : index
    %swap3A_34 = tpu.strided_load %arg3[%swap3A_32, %swap3A_33] {strides = array<i32: 4, 1>} : memref<12800x128xf32, #tpu.memory_space<vmem>>, vector<3200x128xf32>
    tpu.strided_store %arg3[%swap3A_32, %swap3A_33], %dot_general3A_31 {strides = array<i32: 4, 1>} : memref<12800x128xf32, #tpu.memory_space<vmem>>, vector<3200x128xf32>
    return
  }
  func.func @transform_0(%arg0: i32) -> (i32, i32) {
    %c0_i32 = arith.constant 0 : i32
    %c0_i32_0 = arith.constant 0 : i32
    return %arg0, %c0_i32 : i32, i32
  }
  func.func @transform_1(%arg0: i32) -> (i32, i32) {
    %c0_i32 = arith.constant 0 : i32
    %c0_i32_0 = arith.constant 0 : i32
    %c0_i32_1 = arith.constant 0 : i32
    return %c0_i32, %c0_i32_0 : i32, i32
  }
  func.func @transform_2(%arg0: i32) -> (i32, i32) {
    %add3A = arith.constant 0 : i32
    %add3A_0 = arith.addi %arg0, %add3A : i32
    %c0_i32 = arith.constant 0 : i32
    %c0_i32_1 = arith.constant 0 : i32
    return %add3A_0, %c0_i32 : i32, i32
  }
}

module attributes {stable_mosaic.version = 14 : i64} {
  func.func @body(%arg0: i32, %arg1: memref<32x16384xf32, #tpu.memory_space<vmem>>, %arg2: memref<32x16384xf32, #tpu.memory_space<vmem>>, %arg3: memref<32x16384xf32, #tpu.memory_space<vmem>>, %arg4: memref<32x16384xf32, #tpu.memory_space<vmem>>, %arg5: memref<16384x128xf32, #tpu.memory_space<vmem>>) attributes {dimension_semantics = [#tpu.dimension_semantics<arbitrary>], iteration_bounds = array<i64: 16>, scalar_prefetch = 0 : i64, scratch_operands = 0 : i64, tpu.core_type = #tpu.core_type<tc>, window_params = [{transform_indices = @transform_0, window_bounds = array<i64: 32, 16384>}, {transform_indices = @transform_1, window_bounds = array<i64: 32, 16384>}, {transform_indices = @transform_2, window_bounds = array<i64: 32, 16384>}, {transform_indices = @transform_3, window_bounds = array<i64: 32, 16384>}, {transform_indices = @transform_4, window_bounds = array<i64: 16384, 128>}]} {
    %get3A = arith.constant 0 : index
    %get3A_0 = arith.constant 0 : index
    %get3A_1 = vector.load %arg1[%get3A, %get3A_0] : memref<32x16384xf32, #tpu.memory_space<vmem>>, vector<32x16384xf32>
    %get3A_2 = arith.constant 0 : index
    %get3A_3 = arith.constant 0 : index
    %get3A_4 = vector.load %arg2[%get3A_2, %get3A_3] : memref<32x16384xf32, #tpu.memory_space<vmem>>, vector<32x16384xf32>
    %get3A_5 = arith.constant 0 : index
    %get3A_6 = arith.constant 0 : index
    %get3A_7 = vector.load %arg3[%get3A_5, %get3A_6] : memref<32x16384xf32, #tpu.memory_space<vmem>>, vector<32x16384xf32>
    %get3A_8 = arith.constant 0 : index
    %get3A_9 = arith.constant 0 : index
    %get3A_10 = vector.load %arg4[%get3A_8, %get3A_9] : memref<32x16384xf32, #tpu.memory_space<vmem>>, vector<32x16384xf32>
    %concatenate3A = tpu.concatenate %get3A_1, %get3A_4, %get3A_7, %get3A_10 in 0 : vector<32x16384xf32>, vector<32x16384xf32>, vector<32x16384xf32>, vector<32x16384xf32> -> vector<128x16384xf32>
    %transpose3A = tpu.transpose %concatenate3A, [1, 0] : vector<128x16384xf32> -> vector<16384x128xf32>
    %swap3A = arith.constant 0 : index
    %swap3A_11 = arith.constant 0 : index
    %swap3A_12 = vector.load %arg5[%swap3A, %swap3A_11] : memref<16384x128xf32, #tpu.memory_space<vmem>>, vector<16384x128xf32>
    tpu.vector_store %arg5[%swap3A, %swap3A_11], %transpose3A {strides = array<i32>} : memref<16384x128xf32, #tpu.memory_space<vmem>>, vector<16384x128xf32>,
    return
  }
  func.func @transform_0(%arg0: i32) -> (i32, i32) {
    %add3A = arith.constant 0 : i32
    %add3A_0 = arith.addi %arg0, %add3A : i32
    %min3A = arith.constant 61 : i32
    %min3A_1 = arith.minsi %add3A_0, %min3A : i32
    %c0_i32 = arith.constant 0 : i32
    %c0_i32_2 = arith.constant 0 : i32
    return %c0_i32, %min3A_1 : i32, i32
  }
  func.func @transform_1(%arg0: i32) -> (i32, i32) {
    %add3A = arith.constant 16 : i32
    %add3A_0 = arith.addi %arg0, %add3A : i32
    %min3A = arith.constant 61 : i32
    %min3A_1 = arith.minsi %add3A_0, %min3A : i32
    %c0_i32 = arith.constant 0 : i32
    %c0_i32_2 = arith.constant 0 : i32
    return %c0_i32, %min3A_1 : i32, i32
  }
  func.func @transform_2(%arg0: i32) -> (i32, i32) {
    %add3A = arith.constant 32 : i32
    %add3A_0 = arith.addi %arg0, %add3A : i32
    %min3A = arith.constant 61 : i32
    %min3A_1 = arith.minsi %add3A_0, %min3A : i32
    %c0_i32 = arith.constant 0 : i32
    %c0_i32_2 = arith.constant 0 : i32
    return %c0_i32, %min3A_1 : i32, i32
  }
  func.func @transform_3(%arg0: i32) -> (i32, i32) {
    %add3A = arith.constant 48 : i32
    %add3A_0 = arith.addi %arg0, %add3A : i32
    %min3A = arith.constant 61 : i32
    %min3A_1 = arith.minsi %add3A_0, %min3A : i32
    %c0_i32 = arith.constant 0 : i32
    %c0_i32_2 = arith.constant 0 : i32
    return %c0_i32, %min3A_1 : i32, i32
  }
  func.func @transform_4(%arg0: i32) -> (i32, i32) {
    %c0_i32 = arith.constant 0 : i32
    %c0_i32_0 = arith.constant 0 : i32
    return %arg0, %c0_i32 : i32, i32
  }
}

module attributes {stable_mosaic.version = 14 : i64} {
  func.func @mm_alias(%arg0: i32, %arg1: memref<3200x128xf32, #tpu.memory_space<vmem>>, %arg2: memref<32x128xf32, #tpu.memory_space<vmem>>, %arg3: memref<204800x128xf32, #tpu.memory_space<any>>, %arg4: memref<12800x128xf32, #tpu.memory_space<vmem>>) attributes {dimension_semantics = [#tpu.dimension_semantics<arbitrary>], iteration_bounds = array<i64: 8>, scalar_prefetch = 0 : i64, scratch_operands = 0 : i64, tpu.core_type = #tpu.core_type<tc>, window_params = [{transform_indices = @transform_0, window_bounds = array<i64: 3200, 128>}, {pipeline_mode = #tpu.pipeline_mode<synchronous>, transform_indices = @transform_1, window_bounds = array<i64: 32, 128>}, {}, {transform_indices = @transform_3, window_bounds = array<i64: 12800, 128>}]} {
    %get3A = arith.constant 0 : index
    %get3A_0 = arith.constant 0 : index
    %get3A_1 = vector.load %arg1[%get3A, %get3A_0] : memref<3200x128xf32, #tpu.memory_space<vmem>>, vector<3200x128xf32>
    %slice3A = vector.extract_strided_slice %get3A_1 {offsets = [0, 0], sizes = [3200, 32], strides = [1, 1]} : vector<3200x128xf32> to vector<3200x32xf32>
    %get3A_2 = arith.constant 0 : index
    %get3A_3 = arith.constant 0 : index
    %get3A_4 = vector.load %arg2[%get3A_2, %get3A_3] : memref<32x128xf32, #tpu.memory_space<vmem>>, vector<32x128xf32>
    %dot_general3A = arith.constant dense<0.000000e+00> : vector<3200x128xf32>
    %dot_general3A_5 = tpu.matmul %slice3A, %get3A_4, %dot_general3A {dimension_numbers = #tpu.dot_dimension_numbers<[1], [0], [0], [1], [0, 0, 1, 1], [], []>, transpose_lhs_hint = false} : vector<3200x32xf32>, vector<32x128xf32>, vector<3200x128xf32> -> vector<3200x128xf32>
    %swap3A = arith.constant 0 : index
    %swap3A_6 = arith.constant 0 : index
    %swap3A_7 = tpu.strided_load %arg4[%swap3A, %swap3A_6] {strides = array<i32: 4, 1>} : memref<12800x128xf32, #tpu.memory_space<vmem>>, vector<3200x128xf32>
    tpu.strided_store %arg4[%swap3A, %swap3A_6], %dot_general3A_5 {strides = array<i32: 4, 1>} : memref<12800x128xf32, #tpu.memory_space<vmem>>, vector<3200x128xf32>
    %slice3A_8 = vector.extract_strided_slice %get3A_1 {offsets = [0, 32], sizes = [3200, 32], strides = [1, 1]} : vector<3200x128xf32> to vector<3200x32xf32>
    %get3A_9 = arith.constant 0 : index
    %get3A_10 = arith.constant 0 : index
    %get3A_11 = vector.load %arg2[%get3A_9, %get3A_10] : memref<32x128xf32, #tpu.memory_space<vmem>>, vector<32x128xf32>
    %dot_general3A_12 = arith.constant dense<0.000000e+00> : vector<3200x128xf32>
    %dot_general3A_13 = tpu.matmul %slice3A_8, %get3A_11, %dot_general3A_12 {dimension_numbers = #tpu.dot_dimension_numbers<[1], [0], [0], [1], [0, 0, 1, 1], [], []>, transpose_lhs_hint = false} : vector<3200x32xf32>, vector<32x128xf32>, vector<3200x128xf32> -> vector<3200x128xf32>
    %swap3A_14 = arith.constant 1 : index
    %swap3A_15 = arith.constant 0 : index
    %swap3A_16 = tpu.strided_load %arg4[%swap3A_14, %swap3A_15] {strides = array<i32: 4, 1>} : memref<12800x128xf32, #tpu.memory_space<vmem>>, vector<3200x128xf32>
    tpu.strided_store %arg4[%swap3A_14, %swap3A_15], %dot_general3A_13 {strides = array<i32: 4, 1>} : memref<12800x128xf32, #tpu.memory_space<vmem>>, vector<3200x128xf32>
    %slice3A_17 = vector.extract_strided_slice %get3A_1 {offsets = [0, 64], sizes = [3200, 32], strides = [1, 1]} : vector<3200x128xf32> to vector<3200x32xf32>
    %get3A_18 = arith.constant 0 : index
    %get3A_19 = arith.constant 0 : index
    %get3A_20 = vector.load %arg2[%get3A_18, %get3A_19] : memref<32x128xf32, #tpu.memory_space<vmem>>, vector<32x128xf32>
    %dot_general3A_21 = arith.constant dense<0.000000e+00> : vector<3200x128xf32>
    %dot_general3A_22 = tpu.matmul %slice3A_17, %get3A_20, %dot_general3A_21 {dimension_numbers = #tpu.dot_dimension_numbers<[1], [0], [0], [1], [0, 0, 1, 1], [], []>, transpose_lhs_hint = false} : vector<3200x32xf32>, vector<32x128xf32>, vector<3200x128xf32> -> vector<3200x128xf32>
    %swap3A_23 = arith.constant 2 : index
    %swap3A_24 = arith.constant 0 : index
    %swap3A_25 = tpu.strided_load %arg4[%swap3A_23, %swap3A_24] {strides = array<i32: 4, 1>} : memref<12800x128xf32, #tpu.memory_space<vmem>>, vector<3200x128xf32>
    tpu.strided_store %arg4[%swap3A_23, %swap3A_24], %dot_general3A_22 {strides = array<i32: 4, 1>} : memref<12800x128xf32, #tpu.memory_space<vmem>>, vector<3200x128xf32>
    %slice3A_26 = vector.extract_strided_slice %get3A_1 {offsets = [0, 96], sizes = [3200, 32], strides = [1, 1]} : vector<3200x128xf32> to vector<3200x32xf32>
    %get3A_27 = arith.constant 0 : index
    %get3A_28 = arith.constant 0 : index
    %get3A_29 = vector.load %arg2[%get3A_27, %get3A_28] : memref<32x128xf32, #tpu.memory_space<vmem>>, vector<32x128xf32>
    %dot_general3A_30 = arith.constant dense<0.000000e+00> : vector<3200x128xf32>
    %dot_general3A_31 = tpu.matmul %slice3A_26, %get3A_29, %dot_general3A_30 {dimension_numbers = #tpu.dot_dimension_numbers<[1], [0], [0], [1], [0, 0, 1, 1], [], []>, transpose_lhs_hint = false} : vector<3200x32xf32>, vector<32x128xf32>, vector<3200x128xf32> -> vector<3200x128xf32>
    %swap3A_32 = arith.constant 3 : index
    %swap3A_33 = arith.constant 0 : index
    %swap3A_34 = tpu.strided_load %arg4[%swap3A_32, %swap3A_33] {strides = array<i32: 4, 1>} : memref<12800x128xf32, #tpu.memory_space<vmem>>, vector<3200x128xf32>
    tpu.strided_store %arg4[%swap3A_32, %swap3A_33], %dot_general3A_31 {strides = array<i32: 4, 1>} : memref<12800x128xf32, #tpu.memory_space<vmem>>, vector<3200x128xf32>
    return
  }
  func.func @transform_0(%arg0: i32) -> (i32, i32) {
    %c0_i32 = arith.constant 0 : i32
    %c0_i32_0 = arith.constant 0 : i32
    return %arg0, %c0_i32 : i32, i32
  }
  func.func @transform_1(%arg0: i32) -> (i32, i32) {
    %c0_i32 = arith.constant 0 : i32
    %c0_i32_0 = arith.constant 0 : i32
    %c0_i32_1 = arith.constant 0 : i32
    return %c0_i32, %c0_i32_0 : i32, i32
  }
  func.func @transform_3(%arg0: i32) -> (i32, i32) {
    %add3A = arith.constant 8 : i32
    %add3A_0 = arith.addi %arg0, %add3A : i32
    %c0_i32 = arith.constant 0 : i32
    %c0_i32_1 = arith.constant 0 : i32
    return %add3A_0, %c0_i32 : i32, i32
  }
}

</mosaic_0001>

<sc_bundles>
// kernel: kernel.10.cloned.1.call-start
scs
__scs_entry_jumppad:
0x0: {  	(pc) =	sbr.rel $0x88, $3  }
0x1: {  	(tag) =	ssettag $0x0;
	lr =	simm.s32 $0x1  }
0x2: {  	[smem:$0x3F9E] =	sst lr;
	_ =	strace $0xD0000000  }
0x3: {  	_ = 	snop  }
0x4: {  	_ = 	snop  }
0x5: {  	_ = 	snop  }
0x6: {  	_ = 	snop  }
0x7: {  	_ = 	snop  }
__scs_overlays_trampoline_lowered:
0x8: {  	[smem:$0x3FAD] =	sst s0  }
0x9: {  	[smem:$0x3FAE] =	sst s1  }
0xa: {  	[smem:$0x3FAF] =	sst s2  }
0xb: {  	[smem:$0x3FB0] =	sst s3  }
0xc: {  	[smem:$0x3FB1] =	sst s4  }
0xd: {  	[smem:$0x3FB2] =	sst s5  }
0xe: {  	[smem:$0x3FB3] =	sst s6  }
0xf: {  	[smem:$0x3FB4] =	sst s7  }
0x10: {  	[smem:$0x3FB5] =	sst s8  }
0x11: {  	[smem:$0x3FB6] =	sst s9;
	s0 =	simm.s32 @!p0 $0x0  }
0x12: {  	s1 =	sld [smem:$0x3F9C];
	s0 =	simm.s32 @p0 $0x1  }
0x13: {  	[smem:$0x3FB7] =	sst s0;
	s0 =	simm.s32 @!p1 $0x0  }
0x14: {  	s2 =	sld [smem:$0x3F9B];
	s0 =	simm.s32 @p1 $0x1  }
0x15: {  	[smem:$0x3FB8] =	sst s0;
	s0 =	simm.s32 @!p2 $0x0  }
0x16: {  	s3 =	sld [smem:$0x3FDB];
	s0 =	simm.s32 @p2 $0x1  }
0x17: {  	s4 =	simm.s32 $0x1BF5;
	[smem:$0x3FBA] =	sst s0  }
0x18: {  	s0 =	sld [smem:$0x3F9D];
	_ =	swait.ge [sflag:s4], $0x0  }
0x19: {  	s7 =	sld [smem:$0x3F9E]  }
0x1a: {  	s8 =	sadd.s32 $0xFFFFE003, lr  }
0x1b: {  	s9 =	sadd.s32 $0xFFFFFEF7, lr;
	s5 =	simm.s32 $0xFFFFFFFF;
	p2 =	slt.u32 s8, $0xFFFFF086  }
0x1c: {  	p1 =	slt.u32 s9, $0xF7A;
	s5 =	simm.s32 @!p2 $0x0  }
0x1d: {  	s5 =	simm.s32 @p1 $0x1;
	p0 =	seq.s32 s7, s2  }
0x1e: {  	s7 =	smul.u32 @!p0 $0xF7A, s2;
	p2 =	seq.s32 @!p0 s5, $0x0  }
0x1f: {  	s9 =	smul.u32 $0xF7A, s1;
	s8 =	simm.s32 @!p0 $0x1BF5;
	p2 =	por !p2, p0  }
0x20: {  	[sflag:s8] =	ssyncset.s32 @!p0 $0xFFFFF086;
	s6 =	sadd.s32 @!p0 s3, s7;
	s7 =	simm.s32 @!p0 $0x108  }
0x21: {  	s3 =	sadd.s32 s3, s9;
	s6 =	sadd.s32 @!p0 $0x88, s6;
	s7 =	simm.s32 @p2 $0x1082  }
0x22: {  	[simem:s7], [sflag:s8] =	dma.local @!p0 [hbm:s6], $0xF7A  }
0x23: {  	s9 =	sor.u32 $0xD0000000, s2;
	s6 =	simm.s32 $0x108;
	_ =	swait.ge @!p0 [sflag:s8], $0x0  }
0x24: {  	s3 =	sadd.s32 $0x88, s3;
	s6 =	simm.s32 @!p1 $0x1082;
	[sflag:s4] =	ssyncset.s32 $0xFFFFF086  }
0x25: {  	[simem:s6], [sflag:s4] =	dma.local [hbm:s3], $0xF7A  }
0x26: {  	[smem:$0x3F9E] =	sst s1;
	(tag) =	ssettag s2;
	_ =	strace s9  }
0x27: {  	s1 =	sld [smem:$0x3FAE]  }
0x28: {  	s2 =	sld [smem:$0x3FAF]  }
0x29: {  	s4 =	sld [smem:$0x3FB1]  }
0x2a: {  	p0 =	seq.s32 s5, $0x0;
	s5 =	sld [smem:$0x3FB2]  }
0x2b: {  	s6 =	sld [smem:$0x3FB3]  }
0x2c: {  	s7 =	sld [smem:$0x3FB4]  }
0x2d: {  	s3 =	simm.s32 $0x108;
	s8 =	sld [smem:$0x3FB5]  }
0x2e: {  	s3 =	simm.s32 @!p0 $0x1082;
	s9 =	sld [smem:$0x3FB6]  }
0x2f: {  	lr =	sadd.s32 s0, s3;
	s0 =	sld [smem:$0x3FAD]  }
0x30: {  	s3 =	sld [smem:$0x3FB0]  }
0x31: {  	[smem:$0x3FB9] =	sst s10  }
0x32: {  	s10 =	sld [smem:$0x3FB7];
	_ =	sdelay $0x3  }
0x33: {  	p0 =	seq.s32 s10, $0x1;
	s10 =	sld [smem:$0x3FB9];
	_ =	sdelay $0x3  }
0x34: {  	[smem:$0x3FB9] =	sst s10  }
0x35: {  	s10 =	sld [smem:$0x3FB8];
	_ =	sdelay $0x3  }
0x36: {  	p1 =	seq.s32 s10, $0x1;
	s10 =	sld [smem:$0x3FB9];
	_ =	sdelay $0x3  }
0x37: {  	[smem:$0x3FB9] =	sst s10  }
0x38: {  	s10 =	sld [smem:$0x3FBA]  }
0x39: {  	_ = 	snop;
	(pc) =	sbr.ind lr, $3  }
0x3a: {  	_ = 	snop  }
0x3b: {  	_ = 	snop  }
0x3c: {  	p2 =	seq.s32 s10, $0x1;
	s10 =	sld [smem:$0x3FB9]  }
0x3d: {  	_ =	shalt  }
0x3e: {  	_ =	shalt  }
0x3f: {  	_ =	shalt  }
0x40: {  	_ =	shalt  }
0x41: {  	_ =	shalt  }
0x42: {  	_ =	shalt  }
0x43: {  	_ =	shalt  }
0x44: {  	_ =	shalt  }
0x45: {  	_ =	shalt  }
0x46: {  	_ =	shalt  }
0x47: {  	_ =	shalt  }
0x48: {  	_ =	shalt  }
0x49: {  	_ =	shalt  }
0x4a: {  	_ =	shalt  }
0x4b: {  	_ =	shalt  }
0x4c: {  	_ =	shalt  }
0x4d: {  	_ =	shalt  }
0x4e: {  	_ =	shalt  }
0x4f: {  	_ =	shalt  }
0x50: {  	_ =	shalt  }
0x51: {  	_ =	shalt  }
0x52: {  	_ =	shalt  }
0x53: {  	_ =	shalt  }
0x54: {  	_ =	shalt  }
0x55: {  	_ =	shalt  }
0x56: {  	_ =	shalt  }
0x57: {  	_ =	shalt  }
0x58: {  	_ =	shalt  }
0x59: {  	_ =	shalt  }
0x5a: {  	_ =	shalt  }
0x5b: {  	_ =	shalt  }
0x5c: {  	_ =	shalt  }
0x5d: {  	_ =	shalt  }
0x5e: {  	_ =	shalt  }
0x5f: {  	_ =	shalt  }
0x60: {  	_ =	shalt  }
0x61: {  	_ =	shalt  }
0x62: {  	_ =	shalt  }
0x63: {  	_ =	shalt  }
0x64: {  	_ =	shalt  }
0x65: {  	_ =	shalt  }
0x66: {  	_ =	shalt  }
0x67: {  	_ =	shalt  }
0x68: {  	_ =	shalt  }
0x69: {  	_ =	shalt  }
0x6a: {  	_ =	shalt  }
0x6b: {  	_ =	shalt  }
0x6c: {  	_ =	shalt  }
0x6d: {  	_ =	shalt  }
0x6e: {  	_ =	shalt  }
0x6f: {  	_ =	shalt  }
0x70: {  	_ =	shalt  }
0x71: {  	_ =	shalt  }
0x72: {  	_ =	shalt  }
0x73: {  	_ =	shalt  }
0x74: {  	_ =	shalt  }
0x75: {  	_ =	shalt  }
0x76: {  	_ =	shalt  }
0x77: {  	_ =	shalt  }
0x78: {  	_ =	shalt  }
0x79: {  	_ =	shalt  }
0x7a: {  	_ =	shalt  }
0x7b: {  	_ =	shalt  }
0x7c: {  	_ =	shalt  }
0x7d: {  	_ =	shalt  }
0x7e: {  	_ =	shalt  }
0x7f: {  	_ =	shalt  }
0x80: {  	_ =	shalt  }
0x81: {  	_ =	shalt  }
0x82: {  	_ =	shalt  }
0x83: {  	_ =	shalt  }
0x84: {  	_ =	shalt  }
0x85: {  	_ =	shalt  }
0x86: {  	_ =	shalt  }
0x87: {  	_ =	shalt  }
.Lfunc_end0:
.L_simem_size_0:
called_computation.1_lowered:
.L_overlay_start_0:
0x88: {  	s2 =	sld [smem:$0x3FD9]  }
0x89: {  	s3 =	sld [smem:$0x3FFE];
	_ =	sdelay $0x1  }
0x8a: {  	s1 =	srdreg.scid  }
0x8b: {  	s0 =	sand.u32 $0x1, s1  }
0x8c: {  	s17 =	sshll.u32 s0, $0xA;
	s2 =	sadd.s32 s3, s2  }
0x8d: {  	s2 =	sadd.s32 s2, s17  }
0x8e: {  	[smem:$0x3FC5] =	sst s2  }
0x8f: {  	_ = 	snop  }
0x90: {  	(tm) =	ssettm $0x1  }
0x91: {  	s18 =	sld [smem:$0x3FFB];
	_ =	sdelay $0x3  }
0x92: {  	_ =	strace s18  }
0x93: {  	s2 =	sld [smem:$0x3FFC];
	_ =	sdelay $0x3  }
0x94: {  	_ =	strace s2  }
0x95: {  	s2 =	sld [smem:$0x3FFD];
	_ =	sdelay $0x3  }
0x96: {  	_ =	strace s2  }
0x97: {  	_ =	strace $0x8FFFFFFF  }
0x98: {  	s19 =	sld [smem:$0x3FDB];
	_ =	sdelay $0x1  }
0x99: {  	s20 =	simm.s32 $_scs_section_size  }
0x9a: {  	s4 =	simm.s32 $_size__tile_overlayer_lowered;
	s5 =	simm.s32 $_tile_overlayer_lowered  }
0x9b: {  	s6 =	simm.s32 $0x1BFF;
	s21 =	sshll.u32 s5, $0x1;
	s3 =	sadd.s32 s20, s19  }
0x9c: {  	s22 =	simm.s32 $0x0;
	s4 =	sshll.u32 s4, $0x1;
	s5 =	sadd.s32 s21, s3  }
0x9d: {  	[timem:s22], [sflag:s6] =	dma.local [hbm:s5], s4  }
0x9e: {  	_ =	swait.ge [sflag:s6], s4  }
0x9f: {  	s4 =	ssub.s32 $0x0, s4;
	[sflag:s6] =	ssyncset.done $0x0  }
0xa0: {  	[sflag:s6] =	ssyncadd.s32 s4;
	_ =	sdelay $0x1  }
0xa1: {  	s23 =	simm.s32 $0x1B8B  }
0xa2: {  	_ =	swait.ge [sflag:s23], $0x1  }
0xa3: {  	[sflag:s23] =	ssyncset.done $0x0  }
0xa4: {  	[sflag:s23] =	ssyncadd.s32 $0xFFFFFFFF  }
0xa5: {  	s4 =	sld [smem:$0x0]  }
0xa6: {  	s5 =	sand.u32 $0xFFFFFFFE, s1  }
0xa7: {  	p0 =	sne.s32 s1, s5  }
0xa8: {  	s5 =	sshll.u32 @p0 s5, $0xE  }
0xa9: {  	s5 =	sadd.s32 @p0 $0x11B8D, s5;
	s6 =	sshll.u32 @p0 s4, $0x11  }
0xaa: {  	s5 =	sor.u32 @p0 s6, s5  }
0xab: {  	[sflag:s5] =	ssyncadd.remote.s32 @p0 $0x1;
	_ =	sdelay $0x1  }
0xac: {  	s5 =	simm.s32 @p0 $0x1B8D  }
0xad: {  	_ =	swait.eq @p0 [sflag:s5], $0x1  }
0xae: {  	[sflag:s5] =	ssyncadd.s32 @p0 $0xFFFFFFFF  }
0xaf: {  	s6 =	sshll.u32 @!p0 s1, $0xE  }
0xb0: {  	s6 =	sor.u32 @!p0 $0x4000, s6;
	s5 =	simm.s32 @!p0 $0x1B8D  }
0xb1: {  	s4 =	sshll.u32 @!p0 s4, $0x11;
	s6 =	sadd.s32 @!p0 $0x11B8D, s6;
	_ =	swait.eq @!p0 [sflag:s5], $0x1  }
0xb2: {  	s4 =	sor.u32 @!p0 s4, s6;
	[sflag:s5] =	ssyncadd.s32 @!p0 $0xFFFFFFFF  }
0xb3: {  	s25 =	simm.s32 $0x1B8E;
	s24 =	sld [smem:$0x3FFE];
	[sflag:s4] =	ssyncadd.remote.s32 @!p0 $0x1  }
0xb4: {  	s26 =	simm.s32 $execute0_lowered;
	[smem:$0x3FD2] =	sst s25  }
0xb5: {  	s5 =	sshll.u32 s26, $0x1;
	_ =	strace $0x80000049;
	[dreg:$0x1] =	wrdreg $0xFFFFFFFF  }
0xb6: {  	s28 =	simm.s32 $_size_execute0_lowered;
	s3 =	sadd.s32 s3, s5;
	[dreg:$0x0] =	wrdreg $0x0  }
0xb7: {  	s5 =	sshll.u32 s28, $0x1;
	[dreg:$0x2] =	wrdreg s3  }
0xb8: {  	[dreg:$0x3] =	wrdreg s5  }
0xb9: {  	[dreg:$0x4] =	wrdreg $0xC0  }
0xba: {  	_ =	task [dreg:s22], $0x5FFFF  }
0xbb: {  	[dreg:$0x1] =	wrdreg $0xFFFFFFFF  }
0xbc: {  	[dreg:$0x0] =	wrdreg $0x60  }
0xbd: {  	[dreg:$0x2] =	wrdreg s24  }
0xbe: {  	[dreg:$0x3] =	wrdreg $0xA  }
0xbf: {  	_ =	task.clear_ibuf [dreg:s22], $0x4FFFF;
	_ =	strace $0x90000049  }
0xc0: {  	s29 =	simm.s32 $0xA;
	_ =	strace $0x8000004B  }
0xc1: {  	_ =	swait.ge [sflag:s29], $0x1  }
0xc2: {  	[sflag:s29] =	ssyncadd.s32 $0xFFFFFFFF  }
0xc3: {  	_ =	strace $0x9000004B  }
0xc4: {  	_ =	sfence  }
0xc5: {  	s30 =	sld [smem:$0x0];
	_ =	sdelay $0x2  }
0xc6: {  	s31 =	sshll.u32 s1, $0xD;
	s1 =	sshrl.u32 s1, $0x2  }
0xc7: {  	s4 =	sand.u32 $0x4000, s31;
	s1 =	sadd.s32 s1, s30  }
0xc8: {  	s0 =	sor.u32 s4, s0;
	s1 =	sshll.u32 s1, $0x11  }
0xc9: {  	s0 =	sor.u32 s1, s0  }
0xca: {  	s0 =	sadd.s32 $0x8F2B, s0  }
0xcb: {  	[sflag:s0] =	ssyncadd.remote.s32 $0x1  }
0xcc: {  	_ =	sfence.sel $0xFFFF  }
0xcd: {  	[dreg:$0x0] =	wrdreg $0xFFFFFFFF;
	(pc) =	sbr.abs _section_cstart, $3  }
0xce: {  	[dreg:$0x1] =	wrdreg $0xFFFFFFFF  }
0xcf: {  	_ =	task.clear_ibuf [dreg:s22], $0x2FFFF;
	_ =	strace $0x9FFFFFFF  }
0xd0: {  	(tm) =	ssettm $0x7FFFFFFF  }
0xd1: {  	_ =	shalt  }
tec
execute0_lowered:
.L_overlay_start_1:
0x0: {  	(tag) =	ssettag $0x1  }
0x1: {  	s1 =	srdreg.scid;
	s0 =	stileid.u32  }
0x2: {  	s11 =	sand.u32 $0x1, s1;
	s30 =	sshll.u32 s0, $0x1  }
0x3: {  	s12 =	sor.u32 s11, s30  }
0x4: {  	s3 =	smul.u32 $0xC80, s12  }
0x5: {  	s10 =	rddreg [dreg:$0x0]  }
0x6: {  	s2 =	simm.s32 $0x0;
	s1 =	rddreg [dreg:$0x1];
	s3 =	sshrl.u32 s3, $0x3  }
0x7: {  	[smem:$0x7FF] =	sst s2;
	s3 =	sadd.s32 s10, s3  }
0x8: {  	_ =	strace $0x8000004A;
	s4 =	sadd.s32 $0x4000, s3;
	s3 =	simm.s32 $0x3  }
0x9: {  	[tilespmem:s2], [sflag:$0x3] =	stream.linear.gather [hbm4b:s4+s2], $0xC80, $0x38;
	[tilespmem:$0x19C80] =	vst v63  }
0xa: {  	_ =	swait.ge [sflag:s3], $0xC80  }
0xb: {  	s6 =	simm.s32 $0x640;
	[sflag:s3] =	ssyncset.done $0x0  }
0xc: {  	s7 =	simm.s32 $0xC80;
	s5 =	sadd.s32 $0x7200, s10;
	[sflag:s3] =	ssyncadd.s32 $0xFFFFF380  }
0xd: {  	[tilespmem:s7], [sflag:$0x1] =	stream.indirect.gather [hbm4b:s5+s6], $0x20, s2, s6, $0xb8;
	[tilespmem:$0x19C80] =	vst v63  }
0xe: {  	s8 =	simm.s32 $0xD480;
	s9 =	simm.s32 $0x1  }
0xf: {  	[tilespmem:s8], [sflag:$0x2] =	stream.indirect.gather [hbm4b:s5+s6], $0x20, s6, s6, $0xb8;
	[tilespmem:$0x19C80] =	vst v63  }
0x10: {  	s13 =	smul.u32 $0x3200, s12;
	_ =	swait.ge [sflag:s9], $0xC800  }
0x11: {  	s14 =	sadd.s32 $0x407200, s10;
	[sflag:s9] =	ssyncset.done $0x0  }
0x12: {  	s31 =	ssub.s32 $0x2, s11;
	s10 =	sadd.s32 s14, s13;
	[sflag:s9] =	ssyncadd.s32 $0xFFFF3800  }
0x13: {  	[hbm4b:s10+s2] =	stream.linear.scatter [tilespmem:s7], [sflag:$0x3], $0xC800, $0x38;
	[tilespmem:$0x19C80] =	vst v63  }
0x14: {  	s15 =	sshrl.u32 s31, $0x1;
	_ =	swait.ge [sflag:s3], $0xC800  }
0x15: {  	s12 =	smul.u32 $0x19000, s12;
	s13 =	ssub.s32 s31, s15;
	[sflag:s3] =	ssyncset.done $0x0  }
0x16: {  	s11 =	simm.s32 $0x2;
	s13 =	smax.u32 s13, $0x1;
	[sflag:s3] =	ssyncadd.s32 $0xFFFF3800  }
0x17: {  	s12 =	sshrl.u32 s12, $0x3;
	p0 =	sne.s32 s13, $0x1;
	_ =	swait.ge [sflag:s11], $0xC800  }
.Ltmp0:
0x18: {  	s12 =	sadd.s32 s14, s12;
	[sflag:s11] =	ssyncset.done $0x0;
	(pc) =	sbr.rel @!p0 .LBB2_2-.Ltmp0, $4  }
0x19: {  	s12 =	sadd.s32 $0x1900, s12;
	[sflag:s11] =	ssyncadd.s32 $0xFFFF3800  }
0x1a: {  	[hbm4b:s12+s2] =	stream.linear.scatter [tilespmem:s8], [sflag:$0x3], $0xC800, $0x38;
	[tilespmem:$0x19C80] =	vst v63  }
0x1b: {  	_ =	swait.ge [sflag:s3], $0xC800  }
0x1c: {  	s13 =	sadd.s32 $0xFFFFFFFF, s13;
	[sflag:s3] =	ssyncset.done $0x0  }
.LBB2_1:
0x1d: {  	p0 =	sne.s32 s13, $0x1;
	s13 =	sadd.s32 $0xFFFFFFFF, s13;
	[sflag:s3] =	ssyncadd.s32 $0xFFFF3800  }
0x1e: {  	[tilespmem:s2], [sflag:$0x3] =	stream.linear.gather [hbm4b:s4+s2], $0xC80, $0x38;
	[tilespmem:$0x19C80] =	vst v63  }
0x1f: {  	_ =	swait.ge [sflag:s3], $0xC80  }
0x20: {  	[sflag:s3] =	ssyncset.done $0x0  }
0x21: {  	[sflag:s3] =	ssyncadd.s32 $0xFFFFF380  }
0x22: {  	[tilespmem:s7], [sflag:$0x1] =	stream.indirect.gather [hbm4b:s5+s6], $0x20, s2, s6, $0xb8;
	[tilespmem:$0x19C80] =	vst v63  }
0x23: {  	_ = 	snop  }
0x24: {  	[tilespmem:s8], [sflag:$0x2] =	stream.indirect.gather [hbm4b:s5+s6], $0x20, s6, s6, $0xb8;
	[tilespmem:$0x19C80] =	vst v63  }
0x25: {  	_ =	swait.ge [sflag:s9], $0xC800  }
0x26: {  	[sflag:s9] =	ssyncset.done $0x0  }
0x27: {  	[sflag:s9] =	ssyncadd.s32 $0xFFFF3800  }
0x28: {  	[hbm4b:s10+s2] =	stream.linear.scatter [tilespmem:s7], [sflag:$0x3], $0xC800, $0x38;
	[tilespmem:$0x19C80] =	vst v63  }
0x29: {  	_ =	swait.ge [sflag:s3], $0xC800  }
0x2a: {  	[sflag:s3] =	ssyncset.done $0x0  }
0x2b: {  	[sflag:s3] =	ssyncadd.s32 $0xFFFF3800  }
0x2c: {  	_ =	swait.ge [sflag:s11], $0xC800  }
.Ltmp1:
0x2d: {  	[sflag:s11] =	ssyncset.done $0x0;
	(pc) =	sbr.rel @p0 .LBB2_1-.Ltmp1, $4  }
0x2e: {  	[sflag:s11] =	ssyncadd.s32 $0xFFFF3800  }
0x2f: {  	[hbm4b:s12+s2] =	stream.linear.scatter [tilespmem:s8], [sflag:$0x3], $0xC800, $0x38;
	[tilespmem:$0x19C80] =	vst v63  }
0x30: {  	_ =	swait.ge [sflag:s3], $0xC800  }
0x31: {  	[sflag:s3] =	ssyncset.done $0x0  }
.LBB2_2:
0x32: {  	[sflag:s3] =	ssyncadd.s32 $0xFFFF3800  }
0x33: {  	_ =	sfence.sel $0x180000  }
0x34: {  	[bflag:$0x0] =	sbarrier.arrive $0xFFFF  }
0x35: {  	p0 =	sne.s32 s0, $0x0;
	_ =	strace $0x9000004A  }
0x36: {  	s0 =	sadd.s32 @!p0 $0x100000, s1;
	[bflag:$0x2] =	sbarrier.arrive $0xFFFF  }
0x37: {  	[sflag:s0] =	ssyncadd.tile.s32 @!p0 $0x1;
	_ =	shalt  }
.Lfunc_end2:
_tile_overlayer_lowered:
.L_overlay_start_2:
0x38: {  	(tag) =	ssettag $0x2  }
0x39: {  	s0 =	rddreg [dreg:$0x0];
	s2 =	stileid.u32  }
0x3a: {  	s1 =	rddreg [dreg:$0x1];
	p0 =	sne.s32 s2, $0x0  }
0x3b: {  	s3 =	rddreg [dreg:$0x2];
	[bflag:$0x3] =	sbarrier.arrive $0xFFFF;
	s2 =	simm.s32 @!p0 $0x1C03  }
0x3c: {  	[timem:s3], [sflag:s2] =	dma.local @!p0 [hbm:s0], s1  }
0x3d: {  	s0 =	simm.s32 @!p0 $0x3  }
0x3e: {  	_ =	swait.ge @!p0 [sflag:s0], s1  }
0x3f: {  	s1 =	ssub.s32 @!p0 $0x0, s1;
	[sflag:s0] =	ssyncset.done @!p0 $0x0  }
0x40: {  	[sflag:s0] =	ssyncadd.s32 @!p0 s1  }
0x41: {  	[bflag:$0x3] =	sbarrier.arrive $0xFFFF  }
0x42: {  	_ =	shalt  }

// kernel: kernel.7.cloned.1.call-start
scs
__scs_entry_jumppad:
0x0: {  	(pc) =	sbr.rel $0x88, $3  }
0x1: {  	(tag) =	ssettag $0x0;
	lr =	simm.s32 $0x1  }
0x2: {  	[smem:$0x3F9E] =	sst lr;
	_ =	strace $0xD0000000  }
0x3: {  	_ = 	snop  }
0x4: {  	_ = 	snop  }
0x5: {  	_ = 	snop  }
0x6: {  	_ = 	snop  }
0x7: {  	_ = 	snop  }
__scs_overlays_trampoline_lowered:
0x8: {  	[smem:$0x3FAD] =	sst s0  }
0x9: {  	[smem:$0x3FAE] =	sst s1  }
0xa: {  	[smem:$0x3FAF] =	sst s2  }
0xb: {  	[smem:$0x3FB0] =	sst s3  }
0xc: {  	[smem:$0x3FB1] =	sst s4  }
0xd: {  	[smem:$0x3FB2] =	sst s5  }
0xe: {  	[smem:$0x3FB3] =	sst s6  }
0xf: {  	[smem:$0x3FB4] =	sst s7  }
0x10: {  	[smem:$0x3FB5] =	sst s8  }
0x11: {  	[smem:$0x3FB6] =	sst s9;
	s0 =	simm.s32 @!p0 $0x0  }
0x12: {  	s1 =	sld [smem:$0x3F9C];
	s0 =	simm.s32 @p0 $0x1  }
0x13: {  	[smem:$0x3FB7] =	sst s0;
	s0 =	simm.s32 @!p1 $0x0  }
0x14: {  	s2 =	sld [smem:$0x3F9B];
	s0 =	simm.s32 @p1 $0x1  }
0x15: {  	[smem:$0x3FB8] =	sst s0;
	s0 =	simm.s32 @!p2 $0x0  }
0x16: {  	s3 =	sld [smem:$0x3FDB];
	s0 =	simm.s32 @p2 $0x1  }
0x17: {  	s4 =	simm.s32 $0x1BF5;
	[smem:$0x3FBA] =	sst s0  }
0x18: {  	s0 =	sld [smem:$0x3F9D];
	_ =	swait.ge [sflag:s4], $0x0  }
0x19: {  	s7 =	sld [smem:$0x3F9E]  }
0x1a: {  	s8 =	sadd.s32 $0xFFFFE003, lr  }
0x1b: {  	s9 =	sadd.s32 $0xFFFFFEF7, lr;
	s5 =	simm.s32 $0xFFFFFFFF;
	p2 =	slt.u32 s8, $0xFFFFF086  }
0x1c: {  	p1 =	slt.u32 s9, $0xF7A;
	s5 =	simm.s32 @!p2 $0x0  }
0x1d: {  	s5 =	simm.s32 @p1 $0x1;
	p0 =	seq.s32 s7, s2  }
0x1e: {  	s7 =	smul.u32 @!p0 $0xF7A, s2;
	p2 =	seq.s32 @!p0 s5, $0x0  }
0x1f: {  	s9 =	smul.u32 $0xF7A, s1;
	s8 =	simm.s32 @!p0 $0x1BF5;
	p2 =	por !p2, p0  }
0x20: {  	[sflag:s8] =	ssyncset.s32 @!p0 $0xFFFFF086;
	s6 =	sadd.s32 @!p0 s3, s7;
	s7 =	simm.s32 @!p0 $0x108  }
0x21: {  	s3 =	sadd.s32 s3, s9;
	s6 =	sadd.s32 @!p0 $0x88, s6;
	s7 =	simm.s32 @p2 $0x1082  }
0x22: {  	[simem:s7], [sflag:s8] =	dma.local @!p0 [hbm:s6], $0xF7A  }
0x23: {  	s9 =	sor.u32 $0xD0000000, s2;
	s6 =	simm.s32 $0x108;
	_ =	swait.ge @!p0 [sflag:s8], $0x0  }
0x24: {  	s3 =	sadd.s32 $0x88, s3;
	s6 =	simm.s32 @!p1 $0x1082;
	[sflag:s4] =	ssyncset.s32 $0xFFFFF086  }
0x25: {  	[simem:s6], [sflag:s4] =	dma.local [hbm:s3], $0xF7A  }
0x26: {  	[smem:$0x3F9E] =	sst s1;
	(tag) =	ssettag s2;
	_ =	strace s9  }
0x27: {  	s1 =	sld [smem:$0x3FAE]  }
0x28: {  	s2 =	sld [smem:$0x3FAF]  }
0x29: {  	s4 =	sld [smem:$0x3FB1]  }
0x2a: {  	p0 =	seq.s32 s5, $0x0;
	s5 =	sld [smem:$0x3FB2]  }
0x2b: {  	s6 =	sld [smem:$0x3FB3]  }
0x2c: {  	s7 =	sld [smem:$0x3FB4]  }
0x2d: {  	s3 =	simm.s32 $0x108;
	s8 =	sld [smem:$0x3FB5]  }
0x2e: {  	s3 =	simm.s32 @!p0 $0x1082;
	s9 =	sld [smem:$0x3FB6]  }
0x2f: {  	lr =	sadd.s32 s0, s3;
	s0 =	sld [smem:$0x3FAD]  }
0x30: {  	s3 =	sld [smem:$0x3FB0]  }
0x31: {  	[smem:$0x3FB9] =	sst s10  }
0x32: {  	s10 =	sld [smem:$0x3FB7];
	_ =	sdelay $0x3  }
0x33: {  	p0 =	seq.s32 s10, $0x1;
	s10 =	sld [smem:$0x3FB9];
	_ =	sdelay $0x3  }
0x34: {  	[smem:$0x3FB9] =	sst s10  }
0x35: {  	s10 =	sld [smem:$0x3FB8];
	_ =	sdelay $0x3  }
0x36: {  	p1 =	seq.s32 s10, $0x1;
	s10 =	sld [smem:$0x3FB9];
	_ =	sdelay $0x3  }
0x37: {  	[smem:$0x3FB9] =	sst s10  }
0x38: {  	s10 =	sld [smem:$0x3FBA]  }
0x39: {  	_ = 	snop;
	(pc) =	sbr.ind lr, $3  }
0x3a: {  	_ = 	snop  }
0x3b: {  	_ = 	snop  }
0x3c: {  	p2 =	seq.s32 s10, $0x1;
	s10 =	sld [smem:$0x3FB9]  }
0x3d: {  	_ =	shalt  }
0x3e: {  	_ =	shalt  }
0x3f: {  	_ =	shalt  }
0x40: {  	_ =	shalt  }
0x41: {  	_ =	shalt  }
0x42: {  	_ =	shalt  }
0x43: {  	_ =	shalt  }
0x44: {  	_ =	shalt  }
0x45: {  	_ =	shalt  }
0x46: {  	_ =	shalt  }
0x47: {  	_ =	shalt  }
0x48: {  	_ =	shalt  }
0x49: {  	_ =	shalt  }
0x4a: {  	_ =	shalt  }
0x4b: {  	_ =	shalt  }
0x4c: {  	_ =	shalt  }
0x4d: {  	_ =	shalt  }
0x4e: {  	_ =	shalt  }
0x4f: {  	_ =	shalt  }
0x50: {  	_ =	shalt  }
0x51: {  	_ =	shalt  }
0x52: {  	_ =	shalt  }
0x53: {  	_ =	shalt  }
0x54: {  	_ =	shalt  }
0x55: {  	_ =	shalt  }
0x56: {  	_ =	shalt  }
0x57: {  	_ =	shalt  }
0x58: {  	_ =	shalt  }
0x59: {  	_ =	shalt  }
0x5a: {  	_ =	shalt  }
0x5b: {  	_ =	shalt  }
0x5c: {  	_ =	shalt  }
0x5d: {  	_ =	shalt  }
0x5e: {  	_ =	shalt  }
0x5f: {  	_ =	shalt  }
0x60: {  	_ =	shalt  }
0x61: {  	_ =	shalt  }
0x62: {  	_ =	shalt  }
0x63: {  	_ =	shalt  }
0x64: {  	_ =	shalt  }
0x65: {  	_ =	shalt  }
0x66: {  	_ =	shalt  }
0x67: {  	_ =	shalt  }
0x68: {  	_ =	shalt  }
0x69: {  	_ =	shalt  }
0x6a: {  	_ =	shalt  }
0x6b: {  	_ =	shalt  }
0x6c: {  	_ =	shalt  }
0x6d: {  	_ =	shalt  }
0x6e: {  	_ =	shalt  }
0x6f: {  	_ =	shalt  }
0x70: {  	_ =	shalt  }
0x71: {  	_ =	shalt  }
0x72: {  	_ =	shalt  }
0x73: {  	_ =	shalt  }
0x74: {  	_ =	shalt  }
0x75: {  	_ =	shalt  }
0x76: {  	_ =	shalt  }
0x77: {  	_ =	shalt  }
0x78: {  	_ =	shalt  }
0x79: {  	_ =	shalt  }
0x7a: {  	_ =	shalt  }
0x7b: {  	_ =	shalt  }
0x7c: {  	_ =	shalt  }
0x7d: {  	_ =	shalt  }
0x7e: {  	_ =	shalt  }
0x7f: {  	_ =	shalt  }
0x80: {  	_ =	shalt  }
0x81: {  	_ =	shalt  }
0x82: {  	_ =	shalt  }
0x83: {  	_ =	shalt  }
0x84: {  	_ =	shalt  }
0x85: {  	_ =	shalt  }
0x86: {  	_ =	shalt  }
0x87: {  	_ =	shalt  }
.Lfunc_end0:
.L_simem_size_0:
called_computation_lowered:
.L_overlay_start_0:
0x88: {  	s2 =	sld [smem:$0x3FD9]  }
0x89: {  	s3 =	sld [smem:$0x3FFE];
	_ =	sdelay $0x1  }
0x8a: {  	s1 =	srdreg.scid  }
0x8b: {  	s0 =	sand.u32 $0x1, s1  }
0x8c: {  	s17 =	sshll.u32 s0, $0xA;
	s2 =	sadd.s32 s3, s2  }
0x8d: {  	s2 =	sadd.s32 s2, s17  }
0x8e: {  	[smem:$0x3FC5] =	sst s2  }
0x8f: {  	_ = 	snop  }
0x90: {  	s2 =	sld [smem:$0x3FD0];
	(tm) =	ssettm $0x1  }
0x91: {  	s18 =	sld [smem:$0x3FFB];
	_ =	sdelay $0x3  }
0x92: {  	_ =	strace s18  }
0x93: {  	s3 =	sld [smem:$0x3FFC];
	_ =	sdelay $0x3  }
0x94: {  	_ =	strace s3  }
0x95: {  	s3 =	sld [smem:$0x3FFD];
	_ =	sdelay $0x3  }
0x96: {  	_ =	strace s3  }
0x97: {  	_ =	strace $0x8FFFFFFF  }
0x98: {  	s19 =	sld [smem:$0x3FDB];
	_ =	sdelay $0x1  }
0x99: {  	s4 =	simm.s32 $_scs_section_size  }
0x9a: {  	s5 =	simm.s32 $_size__tile_overlayer_lowered;
	s6 =	simm.s32 $_tile_overlayer_lowered  }
0x9b: {  	s22 =	simm.s32 $0x1BFF;
	s21 =	sshll.u32 s6, $0x1;
	s3 =	sadd.s32 s4, s19  }
0x9c: {  	s7 =	simm.s32 $0x0;
	s20 =	sshll.u32 s5, $0x1;
	s5 =	sadd.s32 s21, s3  }
0x9d: {  	[timem:s7], [sflag:s22] =	dma.local [hbm:s5], s20  }
0x9e: {  	_ =	swait.ge [sflag:s22], s20  }
0x9f: {  	s4 =	ssub.s32 $0x0, s20;
	[sflag:s22] =	ssyncset.done $0x0  }
0xa0: {  	[sflag:s22] =	ssyncadd.s32 s4;
	_ =	sdelay $0x1  }
0xa1: {  	s23 =	simm.s32 $0x1B8B  }
0xa2: {  	_ =	swait.ge [sflag:s23], $0x1  }
0xa3: {  	[sflag:s23] =	ssyncset.done $0x0  }
0xa4: {  	s25 =	simm.s32 $0x1B8E;
	s24 =	sld [smem:$0x3FFE];
	[sflag:s23] =	ssyncadd.s32 $0xFFFFFFFF  }
0xa5: {  	s26 =	simm.s32 $execute0_lowered;
	[smem:$0x3FD2] =	sst s25  }
0xa6: {  	s5 =	sshll.u32 s26, $0x1;
	_ =	strace $0x80000046;
	[dreg:$0x1] =	wrdreg $0xFFFFFFFF  }
0xa7: {  	s28 =	simm.s32 $_size_execute0_lowered;
	s3 =	sadd.s32 s3, s5;
	[dreg:$0x0] =	wrdreg $0x0  }
0xa8: {  	s5 =	sshll.u32 s28, $0x1;
	[dreg:$0x2] =	wrdreg s3  }
0xa9: {  	[dreg:$0x3] =	wrdreg s5  }
0xaa: {  	[dreg:$0x4] =	wrdreg $0xC0  }
0xab: {  	_ =	task [dreg:s7], $0x5FFFF  }
0xac: {  	[dreg:$0x1] =	wrdreg $0xFFFFFFFF  }
0xad: {  	[dreg:$0x0] =	wrdreg $0x60  }
0xae: {  	[dreg:$0x2] =	wrdreg s24  }
0xaf: {  	[dreg:$0x3] =	wrdreg s2  }
0xb0: {  	[dreg:$0x4] =	wrdreg $0x9  }
0xb1: {  	_ =	task.clear_ibuf [dreg:s7], $0x5FFFF;
	_ =	strace $0x90000046  }
0xb2: {  	s29 =	simm.s32 $0x9;
	_ =	strace $0x80000048  }
0xb3: {  	_ =	swait.ge [sflag:s29], $0x1  }
0xb4: {  	[sflag:s29] =	ssyncadd.s32 $0xFFFFFFFF  }
0xb5: {  	_ =	strace $0x90000048  }
0xb6: {  	_ =	sfence  }
0xb7: {  	s30 =	sld [smem:$0x0];
	_ =	sdelay $0x2  }
0xb8: {  	s31 =	sshll.u32 s1, $0xD;
	s1 =	sshrl.u32 s1, $0x2  }
0xb9: {  	s3 =	sand.u32 $0x4000, s31;
	s1 =	sadd.s32 s1, s30  }
0xba: {  	s0 =	sor.u32 s3, s0;
	s1 =	sshll.u32 s1, $0x11  }
0xbb: {  	s0 =	sor.u32 s1, s0  }
0xbc: {  	s0 =	sadd.s32 $0x8F2B, s0  }
0xbd: {  	[sflag:s0] =	ssyncadd.remote.s32 $0x1  }
0xbe: {  	_ =	sfence.sel $0xFFFF  }
0xbf: {  	[dreg:$0x0] =	wrdreg $0xFFFFFFFF;
	(pc) =	sbr.abs _section_cstart, $3  }
0xc0: {  	[dreg:$0x1] =	wrdreg $0xFFFFFFFF  }
0xc1: {  	_ =	task.clear_ibuf [dreg:s7], $0x2FFFF;
	_ =	strace $0x9FFFFFFF  }
0xc2: {  	(tm) =	ssettm $0x7FFFFFFF  }
0xc3: {  	_ =	shalt  }
tec
execute0_lowered:
.L_overlay_start_1:
0x0: {  	(tag) =	ssettag $0x1  }
0x1: {  	s1 =	srdreg.scid;
	s0 =	stileid.u32  }
0x2: {  	s11 =	sand.u32 $0x1, s1;
	s30 =	sshll.u32 s0, $0x1  }
0x3: {  	s5 =	rddreg [dreg:$0x0];
	s12 =	sor.u32 s11, s30  }
0x4: {  	s13 =	rddreg [dreg:$0x1];
	s3 =	smul.u32 $0x190, s12  }
0x5: {  	s2 =	simm.s32 $0x0;
	s1 =	rddreg [dreg:$0x2]  }
0x6: {  	[smem:$0x7FF] =	sst s2;
	s3 =	sadd.s32 s3, s5  }
0x7: {  	_ =	strace $0x80000047;
	s4 =	sadd.s32 $0xE00, s3;
	s3 =	simm.s32 $0x3  }
0x8: {  	[tilespmem:s2], [sflag:$0x3] =	stream.linear.gather [hbm4b:s4+s2], $0xC80, $0x38;
	[tilespmem:$0x19C80] =	vst v63  }
0x9: {  	_ =	swait.ge [sflag:s3], $0xC80  }
0xa: {  	s6 =	simm.s32 $0x640;
	[sflag:s3] =	ssyncset.done $0x0  }
0xb: {  	s7 =	simm.s32 $0xC80;
	s5 =	sadd.s32 $0x7200, s5;
	[sflag:s3] =	ssyncadd.s32 $0xFFFFF380  }
0xc: {  	[tilespmem:s7], [sflag:$0x1] =	stream.indirect.gather [hbm4b:s5+s6], $0x20, s2, s6, $0xb8;
	[tilespmem:$0x19C80] =	vst v63  }
0xd: {  	s8 =	simm.s32 $0xD480;
	s9 =	simm.s32 $0x1  }
0xe: {  	[tilespmem:s8], [sflag:$0x2] =	stream.indirect.gather [hbm4b:s5+s6], $0x20, s6, s6, $0xb8;
	[tilespmem:$0x19C80] =	vst v63  }
0xf: {  	s10 =	smul.u32 $0x3200, s12;
	_ =	swait.ge [sflag:s9], $0xC800  }
0x10: {  	[sflag:s9] =	ssyncset.done $0x0  }
0x11: {  	s14 =	ssub.s32 $0x2, s11;
	s10 =	sadd.s32 s13, s10;
	[sflag:s9] =	ssyncadd.s32 $0xFFFF3800  }
0x12: {  	[hbm4b:s10+s2] =	stream.linear.scatter [tilespmem:s7], [sflag:$0x3], $0xC800, $0x38;
	[tilespmem:$0x19C80] =	vst v63  }
0x13: {  	s15 =	sshrl.u32 s14, $0x1;
	_ =	swait.ge [sflag:s3], $0xC800  }
0x14: {  	s12 =	smul.u32 $0x19000, s12;
	s14 =	ssub.s32 s14, s15;
	[sflag:s3] =	ssyncset.done $0x0  }
0x15: {  	s11 =	simm.s32 $0x2;
	s31 =	smax.u32 s14, $0x1;
	[sflag:s3] =	ssyncadd.s32 $0xFFFF3800  }
0x16: {  	s12 =	sshrl.u32 s12, $0x3;
	p0 =	sne.s32 s31, $0x1;
	_ =	swait.ge [sflag:s11], $0xC800  }
.Ltmp0:
0x17: {  	s12 =	sadd.s32 s13, s12;
	[sflag:s11] =	ssyncset.done $0x0;
	(pc) =	sbr.rel @!p0 .LBB2_2-.Ltmp0, $4  }
0x18: {  	s12 =	sadd.s32 $0x1900, s12;
	[sflag:s11] =	ssyncadd.s32 $0xFFFF3800  }
0x19: {  	[hbm4b:s12+s2] =	stream.linear.scatter [tilespmem:s8], [sflag:$0x3], $0xC800, $0x38;
	[tilespmem:$0x19C80] =	vst v63  }
0x1a: {  	_ =	swait.ge [sflag:s3], $0xC800  }
0x1b: {  	s13 =	sadd.s32 $0xFFFFFFFF, s31;
	[sflag:s3] =	ssyncset.done $0x0  }
.LBB2_1:
0x1c: {  	p0 =	sne.s32 s13, $0x1;
	s13 =	sadd.s32 $0xFFFFFFFF, s13;
	[sflag:s3] =	ssyncadd.s32 $0xFFFF3800  }
0x1d: {  	[tilespmem:s2], [sflag:$0x3] =	stream.linear.gather [hbm4b:s4+s2], $0xC80, $0x38;
	[tilespmem:$0x19C80] =	vst v63  }
0x1e: {  	_ =	swait.ge [sflag:s3], $0xC80  }
0x1f: {  	[sflag:s3] =	ssyncset.done $0x0  }
0x20: {  	[sflag:s3] =	ssyncadd.s32 $0xFFFFF380  }
0x21: {  	[tilespmem:s7], [sflag:$0x1] =	stream.indirect.gather [hbm4b:s5+s6], $0x20, s2, s6, $0xb8;
	[tilespmem:$0x19C80] =	vst v63  }
0x22: {  	_ = 	snop  }
0x23: {  	[tilespmem:s8], [sflag:$0x2] =	stream.indirect.gather [hbm4b:s5+s6], $0x20, s6, s6, $0xb8;
	[tilespmem:$0x19C80] =	vst v63  }
0x24: {  	_ =	swait.ge [sflag:s9], $0xC800  }
0x25: {  	[sflag:s9] =	ssyncset.done $0x0  }
0x26: {  	[sflag:s9] =	ssyncadd.s32 $0xFFFF3800  }
0x27: {  	[hbm4b:s10+s2] =	stream.linear.scatter [tilespmem:s7], [sflag:$0x3], $0xC800, $0x38;
	[tilespmem:$0x19C80] =	vst v63  }
0x28: {  	_ =	swait.ge [sflag:s3], $0xC800  }
0x29: {  	[sflag:s3] =	ssyncset.done $0x0  }
0x2a: {  	[sflag:s3] =	ssyncadd.s32 $0xFFFF3800  }
0x2b: {  	_ =	swait.ge [sflag:s11], $0xC800  }
.Ltmp1:
0x2c: {  	[sflag:s11] =	ssyncset.done $0x0;
	(pc) =	sbr.rel @p0 .LBB2_1-.Ltmp1, $4  }
0x2d: {  	[sflag:s11] =	ssyncadd.s32 $0xFFFF3800  }
0x2e: {  	[hbm4b:s12+s2] =	stream.linear.scatter [tilespmem:s8], [sflag:$0x3], $0xC800, $0x38;
	[tilespmem:$0x19C80] =	vst v63  }
0x2f: {  	_ =	swait.ge [sflag:s3], $0xC800  }
0x30: {  	[sflag:s3] =	ssyncset.done $0x0  }
.LBB2_2:
0x31: {  	[sflag:s3] =	ssyncadd.s32 $0xFFFF3800  }
0x32: {  	_ =	sfence.sel $0x180000  }
0x33: {  	[bflag:$0x0] =	sbarrier.arrive $0xFFFF  }
0x34: {  	p0 =	sne.s32 s0, $0x0;
	_ =	strace $0x90000047  }
0x35: {  	s0 =	sadd.s32 @!p0 $0x100000, s1;
	[bflag:$0x2] =	sbarrier.arrive $0xFFFF  }
0x36: {  	[sflag:s0] =	ssyncadd.tile.s32 @!p0 $0x1;
	_ =	shalt  }
.Lfunc_end2:
_tile_overlayer_lowered:
.L_overlay_start_2:
0x37: {  	(tag) =	ssettag $0x2  }
0x38: {  	s0 =	rddreg [dreg:$0x0];
	s2 =	stileid.u32  }
0x39: {  	s1 =	rddreg [dreg:$0x1];
	p0 =	sne.s32 s2, $0x0  }
0x3a: {  	s3 =	rddreg [dreg:$0x2];
	[bflag:$0x3] =	sbarrier.arrive $0xFFFF;
	s2 =	simm.s32 @!p0 $0x1C03  }
0x3b: {  	[timem:s3], [sflag:s2] =	dma.local @!p0 [hbm:s0], s1  }
0x3c: {  	s0 =	simm.s32 @!p0 $0x3  }
0x3d: {  	_ =	swait.ge @!p0 [sflag:s0], s1  }
0x3e: {  	s1 =	ssub.s32 @!p0 $0x0, s1;
	[sflag:s0] =	ssyncset.done @!p0 $0x0  }
0x3f: {  	[sflag:s0] =	ssyncadd.s32 @!p0 s1  }
0x40: {  	[bflag:$0x3] =	sbarrier.arrive $0xFFFF  }
0x41: {  	_ =	shalt  }

</sc_bundles>
